<compile_context>
chip_gen: v7x
topology: tpu7x:2x2x1
jax: 0.10.2.dev20260603
libtpu: 0.0.44.dev20260713+nightly
codegen_flags: <defaults>
</compile_context>

<pallas_src>
import jax
import jax.numpy as jnp
from jax import lax
from jax.experimental import pallas as pl
from jax.experimental.pallas import tpu as pltpu
from jax.experimental.pallas import tpu_sc as plsc

N_NODE = 10000
N_EDGE = 160000
D = 256
DH = D // 2
NC = 2
NS = 16
N_PAD = 10240
ROWS_PER_TILE = N_PAD // NS
EPT = N_EDGE // NS
EPT_P = EPT
FB = 200
N_CHUNK = EPT_P // FB
FBC = 160
CNT_PER_WORKER = 5120
CNT_TOTAL = NC * NS * CNT_PER_WORKER
N_CCHUNK = CNT_PER_WORKER // FBC
BLK = 1280


def _sc_body(tbl_user, tbl_item, src_f, dst_f, cdst_f, src_c, dst_c, cdst_c,
             src_cb, dst_cb, cdst_cb, zfeat, ones_hbm,
             s_f, s_c, s_cb, c_f, c_c, c_cb,
             acc, rows0, onesb, sidx0, didx0, cidx, sem0):
    c = lax.axis_index("c")
    s = lax.axis_index("s")
    drain = pl.multiple_of(s * ROWS_PER_TILE, 8)
    out_off = pl.multiple_of(c * N_PAD + s * ROWS_PER_TILE, 8)

    pltpu.sync_copy(ones_hbm, onesb)

    for e_src, e_dst, e_cdst, tbl, s_out, c_out in (
        (src_f, dst_f, cdst_f, tbl_user, s_f, c_f),
        (src_c, dst_c, cdst_c, tbl_user, s_c, c_c),
        (src_cb, dst_cb, cdst_cb, tbl_item, s_cb, c_cb),
    ):
        pltpu.sync_copy(zfeat.at[pl.ds(drain, ROWS_PER_TILE)],
                        acc.at[pl.ds(drain, ROWS_PER_TILE)])
        plsc.subcore_barrier()

        @pl.loop(0, N_CHUNK)
        def fbody(j, e_src=e_src, e_dst=e_dst, tbl=tbl):
            fo = pl.multiple_of(c * (NS * EPT_P) + s * EPT_P + j * FB, 8)
            fd = pl.multiple_of(s * EPT_P + j * FB, 8)
            pltpu.sync_copy(e_src.at[pl.ds(fo, FB)], sidx0)
            pltpu.sync_copy(e_dst.at[pl.ds(fd, FB)], didx0)
            pltpu.async_copy(tbl.at[sidx0], rows0, sem0).wait()
            pltpu.sync_copy(rows0, acc.at[didx0], add=True)

        plsc.subcore_barrier()
        pltpu.sync_copy(acc.at[pl.ds(drain, ROWS_PER_TILE)],
                        s_out.at[pl.ds(out_off, ROWS_PER_TILE)])
        pltpu.sync_copy(zfeat.at[pl.ds(drain, ROWS_PER_TILE)],
                        acc.at[pl.ds(drain, ROWS_PER_TILE)])
        plsc.subcore_barrier()

        @pl.loop(0, N_CCHUNK)
        def cbody(j, e_cdst=e_cdst):
            co = pl.multiple_of((c * NS + s) * CNT_PER_WORKER + j * FBC, 8)
            pltpu.sync_copy(e_cdst.at[pl.ds(co, FBC)], cidx)
            pltpu.sync_copy(onesb, acc.at[cidx], add=True)

        plsc.subcore_barrier()
        pltpu.sync_copy(acc.at[pl.ds(drain, ROWS_PER_TILE)],
                        c_out.at[pl.ds(out_off, ROWS_PER_TILE)])


def _sc_agg(tbl_user, tbl_item, edge_rows, zfeat, ones):
    mesh = plsc.VectorSubcoreMesh(core_axis_name="c", subcore_axis_name="s",
                                  num_cores=NC, num_subcores=NS)
    f32 = jnp.float32
    call = pl.kernel(
        _sc_body,
        out_type=[jax.ShapeDtypeStruct((NC * N_PAD, DH), f32)] * 6,
        mesh=mesh,
        scratch_types=[
            pltpu.VMEM_SHARED((N_PAD, DH), f32),
            pltpu.VMEM((FB, DH), f32),
            pltpu.VMEM((FBC, DH), f32),
            pltpu.VMEM((FB,), jnp.int32),
            pltpu.VMEM((FB,), jnp.int32),
            pltpu.VMEM((FBC,), jnp.int32),
            pltpu.SemaphoreType.DMA,
        ],
    )
    return call(tbl_user, tbl_item, *edge_rows, zfeat, ones)


def _tc_body(sf0, sf1, cf0, cf1, scb0, scb1, ccb0, ccb1, sc0, sc1, cc0, cc1,
             Wf, bf, Wcb, bcb, Wc, bc, hu, hi):
    f32 = jnp.float32

    def rel(s0, s1, c0, c1, W, b):
        cnt = c0[:, :1] + c1[:, :1]
        r = 1.0 / jnp.maximum(cnt, 1.0)
        mask = (cnt > 0.0).astype(f32)
        x0 = s0[...] * r
        x1 = s1[...] * r
        Wm = W[...]
        h = lax.dot_general(x0, Wm[:, :DH], (((1,), (1,)), ((), ())),
                            preferred_element_type=f32)
        h += lax.dot_general(x1, Wm[:, DH:], (((1,), (1,)), ((), ())),
                             preferred_element_type=f32)
        return h + b[...] * mask

    hu[...] = (rel(sf0, sf1, cf0, cf1, Wf, bf)
               + rel(scb0, scb1, ccb0, ccb1, Wcb, bcb))
    hi[...] = rel(sc0, sc1, cc0, cc1, Wc, bc)


def _tc_epilogue(s_f, s_c, s_cb, c_f, c_c, c_cb,
                 W_f, b_f, W_c, b_c, W_cb, b_cb):
    f32 = jnp.float32
    half0 = pl.BlockSpec((BLK, DH), lambda i: (i, 0))
    half1 = pl.BlockSpec((BLK, DH), lambda i: (N_PAD // BLK + i, 0))
    wspec = pl.BlockSpec((D, D), lambda i: (0, 0))
    bspec = pl.BlockSpec((1, D), lambda i: (0, 0))
    ospec = pl.BlockSpec((BLK, D), lambda i: (i, 0))
    grid = (N_PAD // BLK,)
    out = pl.pallas_call(
        _tc_body,
        grid=grid,
        in_specs=[half0, half1] * 6 + [wspec, bspec] * 3,
        out_specs=[ospec, ospec],
        out_shape=[jax.ShapeDtypeStruct((N_NODE, D), f32)] * 2,
    )(s_f, s_f, c_f, c_f, s_cb, s_cb, c_cb, c_cb, s_c, s_c, c_c, c_c,
      W_f, b_f.reshape(1, D), W_cb, b_cb.reshape(1, D), W_c, b_c.reshape(1, D))
    return out


def kernel(feat_user, feat_item, edges_follows, edges_clicks,
           edges_clicked_by, W_follows, b_follows, W_clicks, b_clicks,
           W_clicked_by, b_clicked_by):
    f32 = jnp.float32
    i32 = jnp.int32
    tbl_u = feat_user.reshape(2 * N_NODE, DH)
    tbl_i = feat_item.reshape(2 * N_NODE, DH)
    zfeat = jnp.zeros((N_PAD, DH), f32)
    ones = jnp.ones((FBC, DH), f32)
    pad_cycle = N_NODE + jnp.arange(EPT_P - EPT, dtype=i32) % (N_PAD - N_NODE)
    cpad = N_NODE + jnp.arange(CNT_TOTAL - N_EDGE, dtype=i32) % (N_PAD - N_NODE)

    def pad_tiles(x, n_tiles, pad_vals):
        x = x.reshape(n_tiles, EPT)
        pad = jnp.broadcast_to(pad_vals, (n_tiles, EPT_P - EPT)).astype(i32)
        return jnp.concatenate([x, pad], axis=1).reshape(-1)

    edge_rows = []
    for e in (edges_follows, edges_clicks, edges_clicked_by):
        e = e.astype(i32)
        src2 = jnp.concatenate([e[0] * 2, e[0] * 2 + 1])
        edge_rows += [pad_tiles(src2, NC * NS, jnp.zeros((), i32)),
                      pad_tiles(e[1], NS, pad_cycle),
                      jnp.concatenate([e[1], cpad])]
    s_f, s_c, s_cb, c_f, c_c, c_cb = _sc_agg(tbl_u, tbl_i, edge_rows,
                                             zfeat, ones)
    return tuple(_tc_epilogue(s_f, s_c, s_cb, c_f, c_c, c_cb,
                              W_follows, b_follows, W_clicks, b_clicks,
                              W_clicked_by, b_clicked_by))

# --- scband reference (transcript-rebuilt; emitter-appended) ---
"""Pipeline reference for scband-hetero-rgcnlayer-24747601560020 (READ-ONLY COPY).

The authoritative reference and input builder live on the scoring server;
editing this copy changes nothing except your own understanding.
"""

import jax, jax.numpy as jnp
import numpy as np

N_USER = 10000
N_ITEM = 10000
E = 160000
D_IN = 256
D_OUT = 256


def setup_inputs(seed: int = 0) -> dict:
    key = jax.random.key(seed)
    ks = jax.random.split(key, 12)
    s = 1.0 / np.sqrt(D_IN)
    feat_user = jax.random.normal(ks[0], (N_USER, D_IN), jnp.float32)
    feat_item = jax.random.normal(ks[1], (N_ITEM, D_IN), jnp.float32)
    edges_follows = jax.random.randint(ks[2], (2, E), 0, N_USER)
    edges_clicks_src = jax.random.randint(ks[3], (1, E), 0, N_USER)
    edges_clicks_dst = jax.random.randint(ks[4], (1, E), 0, N_ITEM)
    edges_clicks = jnp.concatenate([edges_clicks_src, edges_clicks_dst], axis=0)
    edges_cb_src = jax.random.randint(ks[5], (1, E), 0, N_ITEM)
    edges_cb_dst = jax.random.randint(ks[6], (1, E), 0, N_USER)
    edges_clicked_by = jnp.concatenate([edges_cb_src, edges_cb_dst], axis=0)
    W_follows = jax.random.uniform(ks[7], (D_OUT, D_IN), jnp.float32, -s, s)
    b_follows = jax.random.uniform(ks[8], (D_OUT,), jnp.float32, -s, s)
    W_clicks = jax.random.uniform(ks[9], (D_OUT, D_IN), jnp.float32, -s, s)
    b_clicks = jax.random.uniform(ks[10], (D_OUT,), jnp.float32, -s, s)
    W_clicked_by = jax.random.uniform(ks[11], (D_OUT, D_IN), jnp.float32, -s, s)
    b_clicked_by = jax.random.uniform(jax.random.fold_in(key, 99), (D_OUT,), jnp.float32, -s, s)
    return {
        "feat_user": feat_user,
        "feat_item": feat_item,
        "edges_follows": edges_follows,
        "edges_clicks": edges_clicks,
        "edges_clicked_by": edges_clicked_by,
        "W_follows": W_follows,
        "b_follows": b_follows,
        "W_clicks": W_clicks,
        "b_clicks": b_clicks,
        "W_clicked_by": W_clicked_by,
        "b_clicked_by": b_clicked_by,
    }


def _mean_agg(Wh_src, edges, n_dst):
    # copy_u message followed by mean reduce over incoming edges per dst node
    m = Wh_src[edges[0]]
    s = jax.ops.segment_sum(m, edges[1], num_segments=n_dst)
    cnt = jax.ops.segment_sum(jnp.ones((edges.shape[1],), m.dtype), edges[1], num_segments=n_dst)
    return s / jnp.maximum(cnt, 1.0)[:, None]


def reference(feat_user, feat_item, edges_follows, edges_clicks, edges_clicked_by,
              W_follows, b_follows, W_clicks, b_clicks, W_clicked_by, b_clicked_by):
    # per-relation linear transform of source-node features
    Wh_follows = feat_user @ W_follows.T + b_follows
    Wh_clicks = feat_user @ W_clicks.T + b_clicks
    Wh_clicked_by = feat_item @ W_clicked_by.T + b_clicked_by
    # per-relation mean aggregation, then cross-relation 'sum' reducer per dst ntype
    h_user = _mean_agg(Wh_follows, edges_follows, N_USER) + _mean_agg(Wh_clicked_by, edges_clicked_by, N_USER)
    h_item = _mean_agg(Wh_clicks, edges_clicks, N_ITEM)
    return (h_user, h_item)

if __name__ == "__main__":
    import jax
    _d = setup_inputs()
    print(jax.jit(kernel)(*tuple(_d.values())))

</pallas_src>

<mosaic_0001>
#map = affine_map<(d0, d1) -> (0, 0)>
#map1 = affine_map<(d0, d1) -> (0)>
module attributes {stable_mosaic.version = 14 : i64} {
  func.func @_sc_body(%arg0: i32, %arg1: i32, %arg2: memref<20000x128xf32, #tpu.memory_space<hbm>>, %arg3: memref<20000x128xf32, #tpu.memory_space<hbm>>, %arg4: memref<320000xi32, #tpu.memory_space<hbm>>, %arg5: memref<160000xi32, #tpu.memory_space<hbm>>, %arg6: memref<163840xi32, #tpu.memory_space<hbm>>, %arg7: memref<320000xi32, #tpu.memory_space<hbm>>, %arg8: memref<160000xi32, #tpu.memory_space<hbm>>, %arg9: memref<163840xi32, #tpu.memory_space<hbm>>, %arg10: memref<320000xi32, #tpu.memory_space<hbm>>, %arg11: memref<160000xi32, #tpu.memory_space<hbm>>, %arg12: memref<163840xi32, #tpu.memory_space<hbm>>, %arg13: memref<10240x128xf32, #tpu.memory_space<hbm>>, %arg14: memref<160x128xf32, #tpu.memory_space<hbm>>, %arg15: memref<20480x128xf32, #tpu.memory_space<hbm>>, %arg16: memref<20480x128xf32, #tpu.memory_space<hbm>>, %arg17: memref<20480x128xf32, #tpu.memory_space<hbm>>, %arg18: memref<20480x128xf32, #tpu.memory_space<hbm>>, %arg19: memref<20480x128xf32, #tpu.memory_space<hbm>>, %arg20: memref<20480x128xf32, #tpu.memory_space<hbm>>, %arg21: memref<10240x128xf32, #tpu.memory_space<vmem_shared>>, %arg22: memref<200x128xf32, #tpu.memory_space<vmem>>, %arg23: memref<160x128xf32, #tpu.memory_space<vmem>>, %arg24: memref<200xi32, #tpu.memory_space<vmem>>, %arg25: memref<200xi32, #tpu.memory_space<vmem>>, %arg26: memref<160xi32, #tpu.memory_space<vmem>>, %arg27: memref<!tpu.dma_semaphore, #tpu.memory_space<semaphore_mem>>) attributes {dimension_semantics = [#tpu.dimension_semantics<core_parallel>, #tpu.dimension_semantics<subcore_parallel>], iteration_bounds = array<i64: 2, 16>, scalar_prefetch = 0 : i64, scratch_operands = 7 : i64, tpu.core_type = #tpu.core_type<sc_vector_subcore>, window_params = [{transform_indices = #map}, {transform_indices = #map}, {transform_indices = #map1}, {transform_indices = #map1}, {transform_indices = #map1}, {transform_indices = #map1}, {transform_indices = #map1}, {transform_indices = #map1}, {transform_indices = #map1}, {transform_indices = #map1}, {transform_indices = #map1}, {transform_indices = #map}, {transform_indices = #map}, {transform_indices = #map}, {transform_indices = #map}, {transform_indices = #map}, {transform_indices = #map}, {transform_indices = #map}, {transform_indices = #map}]} {
    %mul3A = arith.constant 640 : i32
    %mul3A_0 = arith.muli %arg1, %mul3A : i32
    %multiple_of3A = tpu.assume_multiple %mul3A_0, 8 : i32
    %mul3A_1 = arith.constant 10240 : i32
    %mul3A_2 = arith.muli %arg0, %mul3A_1 : i32
    %mul3A_3 = arith.constant 640 : i32
    %mul3A_4 = arith.muli %arg1, %mul3A_3 : i32
    %add3A = arith.addi %mul3A_2, %mul3A_4 : i32
    %multiple_of3A_5 = tpu.assume_multiple %add3A, 8 : i32
    "tpu.region"() ({
      %run_scoped3A = tpu.sem_alloc : memref<!tpu.dma_semaphore, #tpu.memory_space<semaphore_mem>>
      tpu.enqueue_dma source(%arg14 : memref<160x128xf32, #tpu.memory_space<hbm>>) target(%arg23 : memref<160x128xf32, #tpu.memory_space<vmem>>) target_semaphore(%run_scoped3A : memref<!tpu.dma_semaphore, #tpu.memory_space<semaphore_mem>>)
      tpu.wait_dma2 semaphore(%run_scoped3A : memref<!tpu.dma_semaphore, #tpu.memory_space<semaphore_mem>>) src(%arg14 : memref<160x128xf32, #tpu.memory_space<hbm>>) dst(%arg23 : memref<160x128xf32, #tpu.memory_space<vmem>>)
      tpu.yield
    }) : () -> ()
    "tpu.region"() ({
      %run_scoped3A = tpu.sem_alloc : memref<!tpu.dma_semaphore, #tpu.memory_space<semaphore_mem>>
      %dma_start3A = arith.constant 0 : i32
      %dma_start3A_46 = tpu.memref_slice %arg21[%multiple_of3A, %dma_start3A] : memref<10240x128xf32, #tpu.memory_space<vmem_shared>> -> memref<640x128xf32, #tpu.memory_space<vmem_shared>>
      %dma_start3A_47 = arith.constant 0 : i32
      %dma_start3A_48 = tpu.memref_slice %arg13[%multiple_of3A, %dma_start3A_47] : memref<10240x128xf32, #tpu.memory_space<hbm>> -> memref<640x128xf32, #tpu.memory_space<hbm>>
      tpu.enqueue_dma source(%dma_start3A_48 : memref<640x128xf32, #tpu.memory_space<hbm>>) target(%dma_start3A_46 : memref<640x128xf32, #tpu.memory_space<vmem_shared>>) target_semaphore(%run_scoped3A : memref<!tpu.dma_semaphore, #tpu.memory_space<semaphore_mem>>)
      %dma_wait3A = arith.constant 0 : i32
      %dma_wait3A_49 = tpu.memref_slice %arg21[%multiple_of3A, %dma_wait3A] : memref<10240x128xf32, #tpu.memory_space<vmem_shared>> -> memref<640x128xf32, #tpu.memory_space<vmem_shared>>
      %dma_wait3A_50 = arith.constant 0 : i32
      %dma_wait3A_51 = tpu.memref_slice %arg13[%multiple_of3A, %dma_wait3A_50] : memref<10240x128xf32, #tpu.memory_space<hbm>> -> memref<640x128xf32, #tpu.memory_space<hbm>>
      tpu.wait_dma2 semaphore(%run_scoped3A : memref<!tpu.dma_semaphore, #tpu.memory_space<semaphore_mem>>) src(%dma_wait3A_51 : memref<640x128xf32, #tpu.memory_space<hbm>>) dst(%dma_wait3A_49 : memref<640x128xf32, #tpu.memory_space<vmem_shared>>)
      tpu.yield
    }) : () -> ()
    %barrier3A = arith.constant 0 : index
    tpu.barrier barrier_id(%barrier3A)
    %scan3A = arith.constant 0 : i32
    %scan3A_6 = arith.constant 50 : i32
    %scan3A_7 = arith.addi %scan3A, %scan3A_6 : i32
    %scan3A_8 = arith.constant 1 : i32
    scf.for %scan3A_46 = %scan3A to %scan3A_7 step %scan3A_8  : i32 {
      %mul3A_47 = arith.constant 1 : i32
      %mul3A_48 = arith.muli %scan3A_46, %mul3A_47 : i32
      %add3A_49 = arith.constant 0 : i32
      %add3A_50 = arith.addi %add3A_49, %mul3A_48 : i32
      %mul3A_51 = arith.constant 160000 : i32
      %mul3A_52 = arith.muli %arg0, %mul3A_51 : i32
      %mul3A_53 = arith.constant 10000 : i32
      %mul3A_54 = arith.muli %arg1, %mul3A_53 : i32
      %add3A_55 = arith.addi %mul3A_52, %mul3A_54 : i32
      %mul3A_56 = arith.constant 200 : i32
      %mul3A_57 = arith.muli %add3A_50, %mul3A_56 : i32
      %add3A_58 = arith.addi %add3A_55, %mul3A_57 : i32
      %multiple_of3A_59 = tpu.assume_multiple %add3A_58, 8 : i32
      %mul3A_60 = arith.constant 10000 : i32
      %mul3A_61 = arith.muli %arg1, %mul3A_60 : i32
      %mul3A_62 = arith.constant 200 : i32
      %mul3A_63 = arith.muli %add3A_50, %mul3A_62 : i32
      %add3A_64 = arith.addi %mul3A_61, %mul3A_63 : i32
      %multiple_of3A_65 = tpu.assume_multiple %add3A_64, 8 : i32
      "tpu.region"() ({
        %run_scoped3A = tpu.sem_alloc : memref<!tpu.dma_semaphore, #tpu.memory_space<semaphore_mem>>
        %dma_start3A_70 = tpu.memref_slice %arg4[%multiple_of3A_59] : memref<320000xi32, #tpu.memory_space<hbm>> -> memref<200xi32, #tpu.memory_space<hbm>>
        %dma_start3A_71 = tpu.memref_slice %arg4[%multiple_of3A_59] : memref<320000xi32, #tpu.memory_space<hbm>> -> memref<200xi32, #tpu.memory_space<hbm>>
        tpu.enqueue_dma source(%dma_start3A_71 : memref<200xi32, #tpu.memory_space<hbm>>) target(%arg24 : memref<200xi32, #tpu.memory_space<vmem>>) target_semaphore(%run_scoped3A : memref<!tpu.dma_semaphore, #tpu.memory_space<semaphore_mem>>)
        %dma_wait3A_72 = tpu.memref_slice %arg4[%multiple_of3A_59] : memref<320000xi32, #tpu.memory_space<hbm>> -> memref<200xi32, #tpu.memory_space<hbm>>
        %dma_wait3A_73 = tpu.memref_slice %arg4[%multiple_of3A_59] : memref<320000xi32, #tpu.memory_space<hbm>> -> memref<200xi32, #tpu.memory_space<hbm>>
        tpu.wait_dma2 semaphore(%run_scoped3A : memref<!tpu.dma_semaphore, #tpu.memory_space<semaphore_mem>>) src(%dma_wait3A_73 : memref<200xi32, #tpu.memory_space<hbm>>) dst(%arg24 : memref<200xi32, #tpu.memory_space<vmem>>)
        tpu.yield
      }) : () -> ()
      "tpu.region"() ({
        %run_scoped3A = tpu.sem_alloc : memref<!tpu.dma_semaphore, #tpu.memory_space<semaphore_mem>>
        %dma_start3A_70 = tpu.memref_slice %arg5[%multiple_of3A_65] : memref<160000xi32, #tpu.memory_space<hbm>> -> memref<200xi32, #tpu.memory_space<hbm>>
        %dma_start3A_71 = tpu.memref_slice %arg5[%multiple_of3A_65] : memref<160000xi32, #tpu.memory_space<hbm>> -> memref<200xi32, #tpu.memory_space<hbm>>
        tpu.enqueue_dma source(%dma_start3A_71 : memref<200xi32, #tpu.memory_space<hbm>>) target(%arg25 : memref<200xi32, #tpu.memory_space<vmem>>) target_semaphore(%run_scoped3A : memref<!tpu.dma_semaphore, #tpu.memory_space<semaphore_mem>>)
        %dma_wait3A_72 = tpu.memref_slice %arg5[%multiple_of3A_65] : memref<160000xi32, #tpu.memory_space<hbm>> -> memref<200xi32, #tpu.memory_space<hbm>>
        %dma_wait3A_73 = tpu.memref_slice %arg5[%multiple_of3A_65] : memref<160000xi32, #tpu.memory_space<hbm>> -> memref<200xi32, #tpu.memory_space<hbm>>
        tpu.wait_dma2 semaphore(%run_scoped3A : memref<!tpu.dma_semaphore, #tpu.memory_space<semaphore_mem>>) src(%dma_wait3A_73 : memref<200xi32, #tpu.memory_space<hbm>>) dst(%arg25 : memref<200xi32, #tpu.memory_space<vmem>>)
        tpu.yield
      }) : () -> ()
      %dma_start3A = arith.constant 0 : i32
      %dma_start3A_66 = arith.constant 0 : i32
      %dma_start3A_67 = tpu.memref_slice %arg2[%dma_start3A, %dma_start3A_66] : memref<20000x128xf32, #tpu.memory_space<hbm>> -> memref<20000x128xf32, #tpu.memory_space<hbm>>
      tpu.enqueue_indirect_dma source(%dma_start3A_67 : memref<20000x128xf32, #tpu.memory_space<hbm>>) target(%arg22 : memref<200x128xf32, #tpu.memory_space<vmem>>) offsets(%arg24 : memref<200xi32, #tpu.memory_space<vmem>>) semaphore(%arg27 : memref<!tpu.dma_semaphore, #tpu.memory_space<semaphore_mem>>)
      %dma_wait3A = arith.constant 0 : i32
      %dma_wait3A_68 = arith.constant 0 : i32
      %dma_wait3A_69 = tpu.memref_slice %arg2[%dma_wait3A, %dma_wait3A_68] : memref<20000x128xf32, #tpu.memory_space<hbm>> -> memref<20000x128xf32, #tpu.memory_space<hbm>>
      tpu.wait_indirect_dma semaphore(%arg27 : memref<!tpu.dma_semaphore, #tpu.memory_space<semaphore_mem>>) src(%dma_wait3A_69 : memref<20000x128xf32, #tpu.memory_space<hbm>>) dst(%arg22 : memref<200x128xf32, #tpu.memory_space<vmem>>)
      "tpu.region"() ({
        %run_scoped3A = tpu.sem_alloc : memref<!tpu.dma_semaphore, #tpu.memory_space<semaphore_mem>>
        %dma_start3A_70 = arith.constant 0 : i32
        %dma_start3A_71 = arith.constant 0 : i32
        %dma_start3A_72 = tpu.memref_slice %arg21[%dma_start3A_70, %dma_start3A_71] : memref<10240x128xf32, #tpu.memory_space<vmem_shared>> -> memref<10240x128xf32, #tpu.memory_space<vmem_shared>>
        tpu.enqueue_indirect_dma source(%arg22 : memref<200x128xf32, #tpu.memory_space<vmem>>) target(%dma_start3A_72 : memref<10240x128xf32, #tpu.memory_space<vmem_shared>>) offsets(%arg25 : memref<200xi32, #tpu.memory_space<vmem>>) semaphore(%run_scoped3A : memref<!tpu.dma_semaphore, #tpu.memory_space<semaphore_mem>>) {add = true}
        %dma_wait3A_73 = arith.constant 0 : i32
        %dma_wait3A_74 = arith.constant 0 : i32
        %dma_wait3A_75 = tpu.memref_slice %arg21[%dma_wait3A_73, %dma_wait3A_74] : memref<10240x128xf32, #tpu.memory_space<vmem_shared>> -> memref<10240x128xf32, #tpu.memory_space<vmem_shared>>
        tpu.wait_indirect_dma semaphore(%run_scoped3A : memref<!tpu.dma_semaphore, #tpu.memory_space<semaphore_mem>>) src(%arg22 : memref<200x128xf32, #tpu.memory_space<vmem>>) dst(%dma_wait3A_75 : memref<10240x128xf32, #tpu.memory_space<vmem_shared>>)
        tpu.yield
      }) : () -> ()
    }
    %scan3A_9 = arith.constant 50 : i32
    %barrier3A_10 = arith.constant 0 : index
    tpu.barrier barrier_id(%barrier3A_10)
    "tpu.region"() ({
      %run_scoped3A = tpu.sem_alloc : memref<!tpu.dma_semaphore, #tpu.memory_space<semaphore_mem>>
      %dma_start3A = arith.constant 0 : i32
      %dma_start3A_46 = tpu.memref_slice %arg15[%multiple_of3A_5, %dma_start3A] : memref<20480x128xf32, #tpu.memory_space<hbm>> -> memref<640x128xf32, #tpu.memory_space<hbm>>
      %dma_start3A_47 = arith.constant 0 : i32
      %dma_start3A_48 = tpu.memref_slice %arg21[%multiple_of3A, %dma_start3A_47] : memref<10240x128xf32, #tpu.memory_space<vmem_shared>> -> memref<640x128xf32, #tpu.memory_space<vmem_shared>>
      tpu.enqueue_dma source(%dma_start3A_48 : memref<640x128xf32, #tpu.memory_space<vmem_shared>>) target(%dma_start3A_46 : memref<640x128xf32, #tpu.memory_space<hbm>>) target_semaphore(%run_scoped3A : memref<!tpu.dma_semaphore, #tpu.memory_space<semaphore_mem>>)
      %dma_wait3A = arith.constant 0 : i32
      %dma_wait3A_49 = tpu.memref_slice %arg15[%multiple_of3A_5, %dma_wait3A] : memref<20480x128xf32, #tpu.memory_space<hbm>> -> memref<640x128xf32, #tpu.memory_space<hbm>>
      %dma_wait3A_50 = arith.constant 0 : i32
      %dma_wait3A_51 = tpu.memref_slice %arg21[%multiple_of3A, %dma_wait3A_50] : memref<10240x128xf32, #tpu.memory_space<vmem_shared>> -> memref<640x128xf32, #tpu.memory_space<vmem_shared>>
      tpu.wait_dma2 semaphore(%run_scoped3A : memref<!tpu.dma_semaphore, #tpu.memory_space<semaphore_mem>>) src(%dma_wait3A_51 : memref<640x128xf32, #tpu.memory_space<vmem_shared>>) dst(%dma_wait3A_49 : memref<640x128xf32, #tpu.memory_space<hbm>>)
      tpu.yield
    }) : () -> ()
    "tpu.region"() ({
      %run_scoped3A = tpu.sem_alloc : memref<!tpu.dma_semaphore, #tpu.memory_space<semaphore_mem>>
      %dma_start3A = arith.constant 0 : i32
      %dma_start3A_46 = tpu.memref_slice %arg21[%multiple_of3A, %dma_start3A] : memref<10240x128xf32, #tpu.memory_space<vmem_shared>> -> memref<640x128xf32, #tpu.memory_space<vmem_shared>>
      %dma_start3A_47 = arith.constant 0 : i32
      %dma_start3A_48 = tpu.memref_slice %arg13[%multiple_of3A, %dma_start3A_47] : memref<10240x128xf32, #tpu.memory_space<hbm>> -> memref<640x128xf32, #tpu.memory_space<hbm>>
      tpu.enqueue_dma source(%dma_start3A_48 : memref<640x128xf32, #tpu.memory_space<hbm>>) target(%dma_start3A_46 : memref<640x128xf32, #tpu.memory_space<vmem_shared>>) target_semaphore(%run_scoped3A : memref<!tpu.dma_semaphore, #tpu.memory_space<semaphore_mem>>)
      %dma_wait3A = arith.constant 0 : i32
      %dma_wait3A_49 = tpu.memref_slice %arg21[%multiple_of3A, %dma_wait3A] : memref<10240x128xf32, #tpu.memory_space<vmem_shared>> -> memref<640x128xf32, #tpu.memory_space<vmem_shared>>
      %dma_wait3A_50 = arith.constant 0 : i32
      %dma_wait3A_51 = tpu.memref_slice %arg13[%multiple_of3A, %dma_wait3A_50] : memref<10240x128xf32, #tpu.memory_space<hbm>> -> memref<640x128xf32, #tpu.memory_space<hbm>>
      tpu.wait_dma2 semaphore(%run_scoped3A : memref<!tpu.dma_semaphore, #tpu.memory_space<semaphore_mem>>) src(%dma_wait3A_51 : memref<640x128xf32, #tpu.memory_space<hbm>>) dst(%dma_wait3A_49 : memref<640x128xf32, #tpu.memory_space<vmem_shared>>)
      tpu.yield
    }) : () -> ()
    %barrier3A_11 = arith.constant 0 : index
    tpu.barrier barrier_id(%barrier3A_11)
    %scan3A_12 = arith.constant 0 : i32
    %scan3A_13 = arith.constant 32 : i32
    %scan3A_14 = arith.addi %scan3A_12, %scan3A_13 : i32
    %scan3A_15 = arith.constant 1 : i32
    scf.for %scan3A_46 = %scan3A_12 to %scan3A_14 step %scan3A_15  : i32 {
      %mul3A_47 = arith.constant 1 : i32
      %mul3A_48 = arith.muli %scan3A_46, %mul3A_47 : i32
      %add3A_49 = arith.constant 0 : i32
      %add3A_50 = arith.addi %add3A_49, %mul3A_48 : i32
      %mul3A_51 = arith.constant 16 : i32
      %mul3A_52 = arith.muli %arg0, %mul3A_51 : i32
      %add3A_53 = arith.addi %mul3A_52, %arg1 : i32
      %mul3A_54 = arith.constant 5120 : i32
      %mul3A_55 = arith.muli %add3A_53, %mul3A_54 : i32
      %mul3A_56 = arith.constant 160 : i32
      %mul3A_57 = arith.muli %add3A_50, %mul3A_56 : i32
      %add3A_58 = arith.addi %mul3A_55, %mul3A_57 : i32
      %multiple_of3A_59 = tpu.assume_multiple %add3A_58, 8 : i32
      "tpu.region"() ({
        %run_scoped3A = tpu.sem_alloc : memref<!tpu.dma_semaphore, #tpu.memory_space<semaphore_mem>>
        %dma_start3A = tpu.memref_slice %arg6[%multiple_of3A_59] : memref<163840xi32, #tpu.memory_space<hbm>> -> memref<160xi32, #tpu.memory_space<hbm>>
        %dma_start3A_60 = tpu.memref_slice %arg6[%multiple_of3A_59] : memref<163840xi32, #tpu.memory_space<hbm>> -> memref<160xi32, #tpu.memory_space<hbm>>
        tpu.enqueue_dma source(%dma_start3A_60 : memref<160xi32, #tpu.memory_space<hbm>>) target(%arg26 : memref<160xi32, #tpu.memory_space<vmem>>) target_semaphore(%run_scoped3A : memref<!tpu.dma_semaphore, #tpu.memory_space<semaphore_mem>>)
        %dma_wait3A = tpu.memref_slice %arg6[%multiple_of3A_59] : memref<163840xi32, #tpu.memory_space<hbm>> -> memref<160xi32, #tpu.memory_space<hbm>>
        %dma_wait3A_61 = tpu.memref_slice %arg6[%multiple_of3A_59] : memref<163840xi32, #tpu.memory_space<hbm>> -> memref<160xi32, #tpu.memory_space<hbm>>
        tpu.wait_dma2 semaphore(%run_scoped3A : memref<!tpu.dma_semaphore, #tpu.memory_space<semaphore_mem>>) src(%dma_wait3A_61 : memref<160xi32, #tpu.memory_space<hbm>>) dst(%arg26 : memref<160xi32, #tpu.memory_space<vmem>>)
        tpu.yield
      }) : () -> ()
      "tpu.region"() ({
        %run_scoped3A = tpu.sem_alloc : memref<!tpu.dma_semaphore, #tpu.memory_space<semaphore_mem>>
        %dma_start3A = arith.constant 0 : i32
        %dma_start3A_60 = arith.constant 0 : i32
        %dma_start3A_61 = tpu.memref_slice %arg21[%dma_start3A, %dma_start3A_60] : memref<10240x128xf32, #tpu.memory_space<vmem_shared>> -> memref<10240x128xf32, #tpu.memory_space<vmem_shared>>
        tpu.enqueue_indirect_dma source(%arg23 : memref<160x128xf32, #tpu.memory_space<vmem>>) target(%dma_start3A_61 : memref<10240x128xf32, #tpu.memory_space<vmem_shared>>) offsets(%arg26 : memref<160xi32, #tpu.memory_space<vmem>>) semaphore(%run_scoped3A : memref<!tpu.dma_semaphore, #tpu.memory_space<semaphore_mem>>) {add = true}
        %dma_wait3A = arith.constant 0 : i32
        %dma_wait3A_62 = arith.constant 0 : i32
        %dma_wait3A_63 = tpu.memref_slice %arg21[%dma_wait3A, %dma_wait3A_62] : memref<10240x128xf32, #tpu.memory_space<vmem_shared>> -> memref<10240x128xf32, #tpu.memory_space<vmem_shared>>
        tpu.wait_indirect_dma semaphore(%run_scoped3A : memref<!tpu.dma_semaphore, #tpu.memory_space<semaphore_mem>>) src(%arg23 : memref<160x128xf32, #tpu.memory_space<vmem>>) dst(%dma_wait3A_63 : memref<10240x128xf32, #tpu.memory_space<vmem_shared>>)
        tpu.yield
      }) : () -> ()
    }
    %scan3A_16 = arith.constant 32 : i32
    %barrier3A_17 = arith.constant 0 : index
    tpu.barrier barrier_id(%barrier3A_17)
    "tpu.region"() ({
      %run_scoped3A = tpu.sem_alloc : memref<!tpu.dma_semaphore, #tpu.memory_space<semaphore_mem>>
      %dma_start3A = arith.constant 0 : i32
      %dma_start3A_46 = tpu.memref_slice %arg18[%multiple_of3A_5, %dma_start3A] : memref<20480x128xf32, #tpu.memory_space<hbm>> -> memref<640x128xf32, #tpu.memory_space<hbm>>
      %dma_start3A_47 = arith.constant 0 : i32
      %dma_start3A_48 = tpu.memref_slice %arg21[%multiple_of3A, %dma_start3A_47] : memref<10240x128xf32, #tpu.memory_space<vmem_shared>> -> memref<640x128xf32, #tpu.memory_space<vmem_shared>>
      tpu.enqueue_dma source(%dma_start3A_48 : memref<640x128xf32, #tpu.memory_space<vmem_shared>>) target(%dma_start3A_46 : memref<640x128xf32, #tpu.memory_space<hbm>>) target_semaphore(%run_scoped3A : memref<!tpu.dma_semaphore, #tpu.memory_space<semaphore_mem>>)
      %dma_wait3A = arith.constant 0 : i32
      %dma_wait3A_49 = tpu.memref_slice %arg18[%multiple_of3A_5, %dma_wait3A] : memref<20480x128xf32, #tpu.memory_space<hbm>> -> memref<640x128xf32, #tpu.memory_space<hbm>>
      %dma_wait3A_50 = arith.constant 0 : i32
      %dma_wait3A_51 = tpu.memref_slice %arg21[%multiple_of3A, %dma_wait3A_50] : memref<10240x128xf32, #tpu.memory_space<vmem_shared>> -> memref<640x128xf32, #tpu.memory_space<vmem_shared>>
      tpu.wait_dma2 semaphore(%run_scoped3A : memref<!tpu.dma_semaphore, #tpu.memory_space<semaphore_mem>>) src(%dma_wait3A_51 : memref<640x128xf32, #tpu.memory_space<vmem_shared>>) dst(%dma_wait3A_49 : memref<640x128xf32, #tpu.memory_space<hbm>>)
      tpu.yield
    }) : () -> ()
    "tpu.region"() ({
      %run_scoped3A = tpu.sem_alloc : memref<!tpu.dma_semaphore, #tpu.memory_space<semaphore_mem>>
      %dma_start3A = arith.constant 0 : i32
      %dma_start3A_46 = tpu.memref_slice %arg21[%multiple_of3A, %dma_start3A] : memref<10240x128xf32, #tpu.memory_space<vmem_shared>> -> memref<640x128xf32, #tpu.memory_space<vmem_shared>>
      %dma_start3A_47 = arith.constant 0 : i32
      %dma_start3A_48 = tpu.memref_slice %arg13[%multiple_of3A, %dma_start3A_47] : memref<10240x128xf32, #tpu.memory_space<hbm>> -> memref<640x128xf32, #tpu.memory_space<hbm>>
      tpu.enqueue_dma source(%dma_start3A_48 : memref<640x128xf32, #tpu.memory_space<hbm>>) target(%dma_start3A_46 : memref<640x128xf32, #tpu.memory_space<vmem_shared>>) target_semaphore(%run_scoped3A : memref<!tpu.dma_semaphore, #tpu.memory_space<semaphore_mem>>)
      %dma_wait3A = arith.constant 0 : i32
      %dma_wait3A_49 = tpu.memref_slice %arg21[%multiple_of3A, %dma_wait3A] : memref<10240x128xf32, #tpu.memory_space<vmem_shared>> -> memref<640x128xf32, #tpu.memory_space<vmem_shared>>
      %dma_wait3A_50 = arith.constant 0 : i32
      %dma_wait3A_51 = tpu.memref_slice %arg13[%multiple_of3A, %dma_wait3A_50] : memref<10240x128xf32, #tpu.memory_space<hbm>> -> memref<640x128xf32, #tpu.memory_space<hbm>>
      tpu.wait_dma2 semaphore(%run_scoped3A : memref<!tpu.dma_semaphore, #tpu.memory_space<semaphore_mem>>) src(%dma_wait3A_51 : memref<640x128xf32, #tpu.memory_space<hbm>>) dst(%dma_wait3A_49 : memref<640x128xf32, #tpu.memory_space<vmem_shared>>)
      tpu.yield
    }) : () -> ()
    %barrier3A_18 = arith.constant 0 : index
    tpu.barrier barrier_id(%barrier3A_18)
    %scan3A_19 = arith.constant 0 : i32
    %scan3A_20 = arith.constant 50 : i32
    %scan3A_21 = arith.addi %scan3A_19, %scan3A_20 : i32
    %scan3A_22 = arith.constant 1 : i32
    scf.for %scan3A_46 = %scan3A_19 to %scan3A_21 step %scan3A_22  : i32 {
      %mul3A_47 = arith.constant 1 : i32
      %mul3A_48 = arith.muli %scan3A_46, %mul3A_47 : i32
      %add3A_49 = arith.constant 0 : i32
      %add3A_50 = arith.addi %add3A_49, %mul3A_48 : i32
      %mul3A_51 = arith.constant 160000 : i32
      %mul3A_52 = arith.muli %arg0, %mul3A_51 : i32
      %mul3A_53 = arith.constant 10000 : i32
      %mul3A_54 = arith.muli %arg1, %mul3A_53 : i32
      %add3A_55 = arith.addi %mul3A_52, %mul3A_54 : i32
      %mul3A_56 = arith.constant 200 : i32
      %mul3A_57 = arith.muli %add3A_50, %mul3A_56 : i32
      %add3A_58 = arith.addi %add3A_55, %mul3A_57 : i32
      %multiple_of3A_59 = tpu.assume_multiple %add3A_58, 8 : i32
      %mul3A_60 = arith.constant 10000 : i32
      %mul3A_61 = arith.muli %arg1, %mul3A_60 : i32
      %mul3A_62 = arith.constant 200 : i32
      %mul3A_63 = arith.muli %add3A_50, %mul3A_62 : i32
      %add3A_64 = arith.addi %mul3A_61, %mul3A_63 : i32
      %multiple_of3A_65 = tpu.assume_multiple %add3A_64, 8 : i32
      "tpu.region"() ({
        %run_scoped3A = tpu.sem_alloc : memref<!tpu.dma_semaphore, #tpu.memory_space<semaphore_mem>>
        %dma_start3A_70 = tpu.memref_slice %arg7[%multiple_of3A_59] : memref<320000xi32, #tpu.memory_space<hbm>> -> memref<200xi32, #tpu.memory_space<hbm>>
        %dma_start3A_71 = tpu.memref_slice %arg7[%multiple_of3A_59] : memref<320000xi32, #tpu.memory_space<hbm>> -> memref<200xi32, #tpu.memory_space<hbm>>
        tpu.enqueue_dma source(%dma_start3A_71 : memref<200xi32, #tpu.memory_space<hbm>>) target(%arg24 : memref<200xi32, #tpu.memory_space<vmem>>) target_semaphore(%run_scoped3A : memref<!tpu.dma_semaphore, #tpu.memory_space<semaphore_mem>>)
        %dma_wait3A_72 = tpu.memref_slice %arg7[%multiple_of3A_59] : memref<320000xi32, #tpu.memory_space<hbm>> -> memref<200xi32, #tpu.memory_space<hbm>>
        %dma_wait3A_73 = tpu.memref_slice %arg7[%multiple_of3A_59] : memref<320000xi32, #tpu.memory_space<hbm>> -> memref<200xi32, #tpu.memory_space<hbm>>
        tpu.wait_dma2 semaphore(%run_scoped3A : memref<!tpu.dma_semaphore, #tpu.memory_space<semaphore_mem>>) src(%dma_wait3A_73 : memref<200xi32, #tpu.memory_space<hbm>>) dst(%arg24 : memref<200xi32, #tpu.memory_space<vmem>>)
        tpu.yield
      }) : () -> ()
      "tpu.region"() ({
        %run_scoped3A = tpu.sem_alloc : memref<!tpu.dma_semaphore, #tpu.memory_space<semaphore_mem>>
        %dma_start3A_70 = tpu.memref_slice %arg8[%multiple_of3A_65] : memref<160000xi32, #tpu.memory_space<hbm>> -> memref<200xi32, #tpu.memory_space<hbm>>
        %dma_start3A_71 = tpu.memref_slice %arg8[%multiple_of3A_65] : memref<160000xi32, #tpu.memory_space<hbm>> -> memref<200xi32, #tpu.memory_space<hbm>>
        tpu.enqueue_dma source(%dma_start3A_71 : memref<200xi32, #tpu.memory_space<hbm>>) target(%arg25 : memref<200xi32, #tpu.memory_space<vmem>>) target_semaphore(%run_scoped3A : memref<!tpu.dma_semaphore, #tpu.memory_space<semaphore_mem>>)
        %dma_wait3A_72 = tpu.memref_slice %arg8[%multiple_of3A_65] : memref<160000xi32, #tpu.memory_space<hbm>> -> memref<200xi32, #tpu.memory_space<hbm>>
        %dma_wait3A_73 = tpu.memref_slice %arg8[%multiple_of3A_65] : memref<160000xi32, #tpu.memory_space<hbm>> -> memref<200xi32, #tpu.memory_space<hbm>>
        tpu.wait_dma2 semaphore(%run_scoped3A : memref<!tpu.dma_semaphore, #tpu.memory_space<semaphore_mem>>) src(%dma_wait3A_73 : memref<200xi32, #tpu.memory_space<hbm>>) dst(%arg25 : memref<200xi32, #tpu.memory_space<vmem>>)
        tpu.yield
      }) : () -> ()
      %dma_start3A = arith.constant 0 : i32
      %dma_start3A_66 = arith.constant 0 : i32
      %dma_start3A_67 = tpu.memref_slice %arg2[%dma_start3A, %dma_start3A_66] : memref<20000x128xf32, #tpu.memory_space<hbm>> -> memref<20000x128xf32, #tpu.memory_space<hbm>>
      tpu.enqueue_indirect_dma source(%dma_start3A_67 : memref<20000x128xf32, #tpu.memory_space<hbm>>) target(%arg22 : memref<200x128xf32, #tpu.memory_space<vmem>>) offsets(%arg24 : memref<200xi32, #tpu.memory_space<vmem>>) semaphore(%arg27 : memref<!tpu.dma_semaphore, #tpu.memory_space<semaphore_mem>>)
      %dma_wait3A = arith.constant 0 : i32
      %dma_wait3A_68 = arith.constant 0 : i32
      %dma_wait3A_69 = tpu.memref_slice %arg2[%dma_wait3A, %dma_wait3A_68] : memref<20000x128xf32, #tpu.memory_space<hbm>> -> memref<20000x128xf32, #tpu.memory_space<hbm>>
      tpu.wait_indirect_dma semaphore(%arg27 : memref<!tpu.dma_semaphore, #tpu.memory_space<semaphore_mem>>) src(%dma_wait3A_69 : memref<20000x128xf32, #tpu.memory_space<hbm>>) dst(%arg22 : memref<200x128xf32, #tpu.memory_space<vmem>>)
      "tpu.region"() ({
        %run_scoped3A = tpu.sem_alloc : memref<!tpu.dma_semaphore, #tpu.memory_space<semaphore_mem>>
        %dma_start3A_70 = arith.constant 0 : i32
        %dma_start3A_71 = arith.constant 0 : i32
        %dma_start3A_72 = tpu.memref_slice %arg21[%dma_start3A_70, %dma_start3A_71] : memref<10240x128xf32, #tpu.memory_space<vmem_shared>> -> memref<10240x128xf32, #tpu.memory_space<vmem_shared>>
        tpu.enqueue_indirect_dma source(%arg22 : memref<200x128xf32, #tpu.memory_space<vmem>>) target(%dma_start3A_72 : memref<10240x128xf32, #tpu.memory_space<vmem_shared>>) offsets(%arg25 : memref<200xi32, #tpu.memory_space<vmem>>) semaphore(%run_scoped3A : memref<!tpu.dma_semaphore, #tpu.memory_space<semaphore_mem>>) {add = true}
        %dma_wait3A_73 = arith.constant 0 : i32
        %dma_wait3A_74 = arith.constant 0 : i32
        %dma_wait3A_75 = tpu.memref_slice %arg21[%dma_wait3A_73, %dma_wait3A_74] : memref<10240x128xf32, #tpu.memory_space<vmem_shared>> -> memref<10240x128xf32, #tpu.memory_space<vmem_shared>>
        tpu.wait_indirect_dma semaphore(%run_scoped3A : memref<!tpu.dma_semaphore, #tpu.memory_space<semaphore_mem>>) src(%arg22 : memref<200x128xf32, #tpu.memory_space<vmem>>) dst(%dma_wait3A_75 : memref<10240x128xf32, #tpu.memory_space<vmem_shared>>)
        tpu.yield
      }) : () -> ()
    }
    %scan3A_23 = arith.constant 50 : i32
    %barrier3A_24 = arith.constant 0 : index
    tpu.barrier barrier_id(%barrier3A_24)
    "tpu.region"() ({
      %run_scoped3A = tpu.sem_alloc : memref<!tpu.dma_semaphore, #tpu.memory_space<semaphore_mem>>
      %dma_start3A = arith.constant 0 : i32
      %dma_start3A_46 = tpu.memref_slice %arg16[%multiple_of3A_5, %dma_start3A] : memref<20480x128xf32, #tpu.memory_space<hbm>> -> memref<640x128xf32, #tpu.memory_space<hbm>>
      %dma_start3A_47 = arith.constant 0 : i32
      %dma_start3A_48 = tpu.memref_slice %arg21[%multiple_of3A, %dma_start3A_47] : memref<10240x128xf32, #tpu.memory_space<vmem_shared>> -> memref<640x128xf32, #tpu.memory_space<vmem_shared>>
      tpu.enqueue_dma source(%dma_start3A_48 : memref<640x128xf32, #tpu.memory_space<vmem_shared>>) target(%dma_start3A_46 : memref<640x128xf32, #tpu.memory_space<hbm>>) target_semaphore(%run_scoped3A : memref<!tpu.dma_semaphore, #tpu.memory_space<semaphore_mem>>)
      %dma_wait3A = arith.constant 0 : i32
      %dma_wait3A_49 = tpu.memref_slice %arg16[%multiple_of3A_5, %dma_wait3A] : memref<20480x128xf32, #tpu.memory_space<hbm>> -> memref<640x128xf32, #tpu.memory_space<hbm>>
      %dma_wait3A_50 = arith.constant 0 : i32
      %dma_wait3A_51 = tpu.memref_slice %arg21[%multiple_of3A, %dma_wait3A_50] : memref<10240x128xf32, #tpu.memory_space<vmem_shared>> -> memref<640x128xf32, #tpu.memory_space<vmem_shared>>
      tpu.wait_dma2 semaphore(%run_scoped3A : memref<!tpu.dma_semaphore, #tpu.memory_space<semaphore_mem>>) src(%dma_wait3A_51 : memref<640x128xf32, #tpu.memory_space<vmem_shared>>) dst(%dma_wait3A_49 : memref<640x128xf32, #tpu.memory_space<hbm>>)
      tpu.yield
    }) : () -> ()
    "tpu.region"() ({
      %run_scoped3A = tpu.sem_alloc : memref<!tpu.dma_semaphore, #tpu.memory_space<semaphore_mem>>
      %dma_start3A = arith.constant 0 : i32
      %dma_start3A_46 = tpu.memref_slice %arg21[%multiple_of3A, %dma_start3A] : memref<10240x128xf32, #tpu.memory_space<vmem_shared>> -> memref<640x128xf32, #tpu.memory_space<vmem_shared>>
      %dma_start3A_47 = arith.constant 0 : i32
      %dma_start3A_48 = tpu.memref_slice %arg13[%multiple_of3A, %dma_start3A_47] : memref<10240x128xf32, #tpu.memory_space<hbm>> -> memref<640x128xf32, #tpu.memory_space<hbm>>
      tpu.enqueue_dma source(%dma_start3A_48 : memref<640x128xf32, #tpu.memory_space<hbm>>) target(%dma_start3A_46 : memref<640x128xf32, #tpu.memory_space<vmem_shared>>) target_semaphore(%run_scoped3A : memref<!tpu.dma_semaphore, #tpu.memory_space<semaphore_mem>>)
      %dma_wait3A = arith.constant 0 : i32
      %dma_wait3A_49 = tpu.memref_slice %arg21[%multiple_of3A, %dma_wait3A] : memref<10240x128xf32, #tpu.memory_space<vmem_shared>> -> memref<640x128xf32, #tpu.memory_space<vmem_shared>>
      %dma_wait3A_50 = arith.constant 0 : i32
      %dma_wait3A_51 = tpu.memref_slice %arg13[%multiple_of3A, %dma_wait3A_50] : memref<10240x128xf32, #tpu.memory_space<hbm>> -> memref<640x128xf32, #tpu.memory_space<hbm>>
      tpu.wait_dma2 semaphore(%run_scoped3A : memref<!tpu.dma_semaphore, #tpu.memory_space<semaphore_mem>>) src(%dma_wait3A_51 : memref<640x128xf32, #tpu.memory_space<hbm>>) dst(%dma_wait3A_49 : memref<640x128xf32, #tpu.memory_space<vmem_shared>>)
      tpu.yield
    }) : () -> ()
    %barrier3A_25 = arith.constant 0 : index
    tpu.barrier barrier_id(%barrier3A_25)
    %scan3A_26 = arith.constant 0 : i32
    %scan3A_27 = arith.constant 32 : i32
    %scan3A_28 = arith.addi %scan3A_26, %scan3A_27 : i32
    %scan3A_29 = arith.constant 1 : i32
    scf.for %scan3A_46 = %scan3A_26 to %scan3A_28 step %scan3A_29  : i32 {
      %mul3A_47 = arith.constant 1 : i32
      %mul3A_48 = arith.muli %scan3A_46, %mul3A_47 : i32
      %add3A_49 = arith.constant 0 : i32
      %add3A_50 = arith.addi %add3A_49, %mul3A_48 : i32
      %mul3A_51 = arith.constant 16 : i32
      %mul3A_52 = arith.muli %arg0, %mul3A_51 : i32
      %add3A_53 = arith.addi %mul3A_52, %arg1 : i32
      %mul3A_54 = arith.constant 5120 : i32
      %mul3A_55 = arith.muli %add3A_53, %mul3A_54 : i32
      %mul3A_56 = arith.constant 160 : i32
      %mul3A_57 = arith.muli %add3A_50, %mul3A_56 : i32
      %add3A_58 = arith.addi %mul3A_55, %mul3A_57 : i32
      %multiple_of3A_59 = tpu.assume_multiple %add3A_58, 8 : i32
      "tpu.region"() ({
        %run_scoped3A = tpu.sem_alloc : memref<!tpu.dma_semaphore, #tpu.memory_space<semaphore_mem>>
        %dma_start3A = tpu.memref_slice %arg9[%multiple_of3A_59] : memref<163840xi32, #tpu.memory_space<hbm>> -> memref<160xi32, #tpu.memory_space<hbm>>
        %dma_start3A_60 = tpu.memref_slice %arg9[%multiple_of3A_59] : memref<163840xi32, #tpu.memory_space<hbm>> -> memref<160xi32, #tpu.memory_space<hbm>>
        tpu.enqueue_dma source(%dma_start3A_60 : memref<160xi32, #tpu.memory_space<hbm>>) target(%arg26 : memref<160xi32, #tpu.memory_space<vmem>>) target_semaphore(%run_scoped3A : memref<!tpu.dma_semaphore, #tpu.memory_space<semaphore_mem>>)
        %dma_wait3A = tpu.memref_slice %arg9[%multiple_of3A_59] : memref<163840xi32, #tpu.memory_space<hbm>> -> memref<160xi32, #tpu.memory_space<hbm>>
        %dma_wait3A_61 = tpu.memref_slice %arg9[%multiple_of3A_59] : memref<163840xi32, #tpu.memory_space<hbm>> -> memref<160xi32, #tpu.memory_space<hbm>>
        tpu.wait_dma2 semaphore(%run_scoped3A : memref<!tpu.dma_semaphore, #tpu.memory_space<semaphore_mem>>) src(%dma_wait3A_61 : memref<160xi32, #tpu.memory_space<hbm>>) dst(%arg26 : memref<160xi32, #tpu.memory_space<vmem>>)
        tpu.yield
      }) : () -> ()
      "tpu.region"() ({
        %run_scoped3A = tpu.sem_alloc : memref<!tpu.dma_semaphore, #tpu.memory_space<semaphore_mem>>
        %dma_start3A = arith.constant 0 : i32
        %dma_start3A_60 = arith.constant 0 : i32
        %dma_start3A_61 = tpu.memref_slice %arg21[%dma_start3A, %dma_start3A_60] : memref<10240x128xf32, #tpu.memory_space<vmem_shared>> -> memref<10240x128xf32, #tpu.memory_space<vmem_shared>>
        tpu.enqueue_indirect_dma source(%arg23 : memref<160x128xf32, #tpu.memory_space<vmem>>) target(%dma_start3A_61 : memref<10240x128xf32, #tpu.memory_space<vmem_shared>>) offsets(%arg26 : memref<160xi32, #tpu.memory_space<vmem>>) semaphore(%run_scoped3A : memref<!tpu.dma_semaphore, #tpu.memory_space<semaphore_mem>>) {add = true}
        %dma_wait3A = arith.constant 0 : i32
        %dma_wait3A_62 = arith.constant 0 : i32
        %dma_wait3A_63 = tpu.memref_slice %arg21[%dma_wait3A, %dma_wait3A_62] : memref<10240x128xf32, #tpu.memory_space<vmem_shared>> -> memref<10240x128xf32, #tpu.memory_space<vmem_shared>>
        tpu.wait_indirect_dma semaphore(%run_scoped3A : memref<!tpu.dma_semaphore, #tpu.memory_space<semaphore_mem>>) src(%arg23 : memref<160x128xf32, #tpu.memory_space<vmem>>) dst(%dma_wait3A_63 : memref<10240x128xf32, #tpu.memory_space<vmem_shared>>)
        tpu.yield
      }) : () -> ()
    }
    %scan3A_30 = arith.constant 32 : i32
    %barrier3A_31 = arith.constant 0 : index
    tpu.barrier barrier_id(%barrier3A_31)
    "tpu.region"() ({
      %run_scoped3A = tpu.sem_alloc : memref<!tpu.dma_semaphore, #tpu.memory_space<semaphore_mem>>
      %dma_start3A = arith.constant 0 : i32
      %dma_start3A_46 = tpu.memref_slice %arg19[%multiple_of3A_5, %dma_start3A] : memref<20480x128xf32, #tpu.memory_space<hbm>> -> memref<640x128xf32, #tpu.memory_space<hbm>>
      %dma_start3A_47 = arith.constant 0 : i32
      %dma_start3A_48 = tpu.memref_slice %arg21[%multiple_of3A, %dma_start3A_47] : memref<10240x128xf32, #tpu.memory_space<vmem_shared>> -> memref<640x128xf32, #tpu.memory_space<vmem_shared>>
      tpu.enqueue_dma source(%dma_start3A_48 : memref<640x128xf32, #tpu.memory_space<vmem_shared>>) target(%dma_start3A_46 : memref<640x128xf32, #tpu.memory_space<hbm>>) target_semaphore(%run_scoped3A : memref<!tpu.dma_semaphore, #tpu.memory_space<semaphore_mem>>)
      %dma_wait3A = arith.constant 0 : i32
      %dma_wait3A_49 = tpu.memref_slice %arg19[%multiple_of3A_5, %dma_wait3A] : memref<20480x128xf32, #tpu.memory_space<hbm>> -> memref<640x128xf32, #tpu.memory_space<hbm>>
      %dma_wait3A_50 = arith.constant 0 : i32
      %dma_wait3A_51 = tpu.memref_slice %arg21[%multiple_of3A, %dma_wait3A_50] : memref<10240x128xf32, #tpu.memory_space<vmem_shared>> -> memref<640x128xf32, #tpu.memory_space<vmem_shared>>
      tpu.wait_dma2 semaphore(%run_scoped3A : memref<!tpu.dma_semaphore, #tpu.memory_space<semaphore_mem>>) src(%dma_wait3A_51 : memref<640x128xf32, #tpu.memory_space<vmem_shared>>) dst(%dma_wait3A_49 : memref<640x128xf32, #tpu.memory_space<hbm>>)
      tpu.yield
    }) : () -> ()
    "tpu.region"() ({
      %run_scoped3A = tpu.sem_alloc : memref<!tpu.dma_semaphore, #tpu.memory_space<semaphore_mem>>
      %dma_start3A = arith.constant 0 : i32
      %dma_start3A_46 = tpu.memref_slice %arg21[%multiple_of3A, %dma_start3A] : memref<10240x128xf32, #tpu.memory_space<vmem_shared>> -> memref<640x128xf32, #tpu.memory_space<vmem_shared>>
      %dma_start3A_47 = arith.constant 0 : i32
      %dma_start3A_48 = tpu.memref_slice %arg13[%multiple_of3A, %dma_start3A_47] : memref<10240x128xf32, #tpu.memory_space<hbm>> -> memref<640x128xf32, #tpu.memory_space<hbm>>
      tpu.enqueue_dma source(%dma_start3A_48 : memref<640x128xf32, #tpu.memory_space<hbm>>) target(%dma_start3A_46 : memref<640x128xf32, #tpu.memory_space<vmem_shared>>) target_semaphore(%run_scoped3A : memref<!tpu.dma_semaphore, #tpu.memory_space<semaphore_mem>>)
      %dma_wait3A = arith.constant 0 : i32
      %dma_wait3A_49 = tpu.memref_slice %arg21[%multiple_of3A, %dma_wait3A] : memref<10240x128xf32, #tpu.memory_space<vmem_shared>> -> memref<640x128xf32, #tpu.memory_space<vmem_shared>>
      %dma_wait3A_50 = arith.constant 0 : i32
      %dma_wait3A_51 = tpu.memref_slice %arg13[%multiple_of3A, %dma_wait3A_50] : memref<10240x128xf32, #tpu.memory_space<hbm>> -> memref<640x128xf32, #tpu.memory_space<hbm>>
      tpu.wait_dma2 semaphore(%run_scoped3A : memref<!tpu.dma_semaphore, #tpu.memory_space<semaphore_mem>>) src(%dma_wait3A_51 : memref<640x128xf32, #tpu.memory_space<hbm>>) dst(%dma_wait3A_49 : memref<640x128xf32, #tpu.memory_space<vmem_shared>>)
      tpu.yield
    }) : () -> ()
    %barrier3A_32 = arith.constant 0 : index
    tpu.barrier barrier_id(%barrier3A_32)
    %scan3A_33 = arith.constant 0 : i32
    %scan3A_34 = arith.constant 50 : i32
    %scan3A_35 = arith.addi %scan3A_33, %scan3A_34 : i32
    %scan3A_36 = arith.constant 1 : i32
    scf.for %scan3A_46 = %scan3A_33 to %scan3A_35 step %scan3A_36  : i32 {
      %mul3A_47 = arith.constant 1 : i32
      %mul3A_48 = arith.muli %scan3A_46, %mul3A_47 : i32
      %add3A_49 = arith.constant 0 : i32
      %add3A_50 = arith.addi %add3A_49, %mul3A_48 : i32
      %mul3A_51 = arith.constant 160000 : i32
      %mul3A_52 = arith.muli %arg0, %mul3A_51 : i32
      %mul3A_53 = arith.constant 10000 : i32
      %mul3A_54 = arith.muli %arg1, %mul3A_53 : i32
      %add3A_55 = arith.addi %mul3A_52, %mul3A_54 : i32
      %mul3A_56 = arith.constant 200 : i32
      %mul3A_57 = arith.muli %add3A_50, %mul3A_56 : i32
      %add3A_58 = arith.addi %add3A_55, %mul3A_57 : i32
      %multiple_of3A_59 = tpu.assume_multiple %add3A_58, 8 : i32
      %mul3A_60 = arith.constant 10000 : i32
      %mul3A_61 = arith.muli %arg1, %mul3A_60 : i32
      %mul3A_62 = arith.constant 200 : i32
      %mul3A_63 = arith.muli %add3A_50, %mul3A_62 : i32
      %add3A_64 = arith.addi %mul3A_61, %mul3A_63 : i32
      %multiple_of3A_65 = tpu.assume_multiple %add3A_64, 8 : i32
      "tpu.region"() ({
        %run_scoped3A = tpu.sem_alloc : memref<!tpu.dma_semaphore, #tpu.memory_space<semaphore_mem>>
        %dma_start3A_70 = tpu.memref_slice %arg10[%multiple_of3A_59] : memref<320000xi32, #tpu.memory_space<hbm>> -> memref<200xi32, #tpu.memory_space<hbm>>
        %dma_start3A_71 = tpu.memref_slice %arg10[%multiple_of3A_59] : memref<320000xi32, #tpu.memory_space<hbm>> -> memref<200xi32, #tpu.memory_space<hbm>>
        tpu.enqueue_dma source(%dma_start3A_71 : memref<200xi32, #tpu.memory_space<hbm>>) target(%arg24 : memref<200xi32, #tpu.memory_space<vmem>>) target_semaphore(%run_scoped3A : memref<!tpu.dma_semaphore, #tpu.memory_space<semaphore_mem>>)
        %dma_wait3A_72 = tpu.memref_slice %arg10[%multiple_of3A_59] : memref<320000xi32, #tpu.memory_space<hbm>> -> memref<200xi32, #tpu.memory_space<hbm>>
        %dma_wait3A_73 = tpu.memref_slice %arg10[%multiple_of3A_59] : memref<320000xi32, #tpu.memory_space<hbm>> -> memref<200xi32, #tpu.memory_space<hbm>>
        tpu.wait_dma2 semaphore(%run_scoped3A : memref<!tpu.dma_semaphore, #tpu.memory_space<semaphore_mem>>) src(%dma_wait3A_73 : memref<200xi32, #tpu.memory_space<hbm>>) dst(%arg24 : memref<200xi32, #tpu.memory_space<vmem>>)
        tpu.yield
      }) : () -> ()
      "tpu.region"() ({
        %run_scoped3A = tpu.sem_alloc : memref<!tpu.dma_semaphore, #tpu.memory_space<semaphore_mem>>
        %dma_start3A_70 = tpu.memref_slice %arg11[%multiple_of3A_65] : memref<160000xi32, #tpu.memory_space<hbm>> -> memref<200xi32, #tpu.memory_space<hbm>>
        %dma_start3A_71 = tpu.memref_slice %arg11[%multiple_of3A_65] : memref<160000xi32, #tpu.memory_space<hbm>> -> memref<200xi32, #tpu.memory_space<hbm>>
        tpu.enqueue_dma source(%dma_start3A_71 : memref<200xi32, #tpu.memory_space<hbm>>) target(%arg25 : memref<200xi32, #tpu.memory_space<vmem>>) target_semaphore(%run_scoped3A : memref<!tpu.dma_semaphore, #tpu.memory_space<semaphore_mem>>)
        %dma_wait3A_72 = tpu.memref_slice %arg11[%multiple_of3A_65] : memref<160000xi32, #tpu.memory_space<hbm>> -> memref<200xi32, #tpu.memory_space<hbm>>
        %dma_wait3A_73 = tpu.memref_slice %arg11[%multiple_of3A_65] : memref<160000xi32, #tpu.memory_space<hbm>> -> memref<200xi32, #tpu.memory_space<hbm>>
        tpu.wait_dma2 semaphore(%run_scoped3A : memref<!tpu.dma_semaphore, #tpu.memory_space<semaphore_mem>>) src(%dma_wait3A_73 : memref<200xi32, #tpu.memory_space<hbm>>) dst(%arg25 : memref<200xi32, #tpu.memory_space<vmem>>)
        tpu.yield
      }) : () -> ()
      %dma_start3A = arith.constant 0 : i32
      %dma_start3A_66 = arith.constant 0 : i32
      %dma_start3A_67 = tpu.memref_slice %arg3[%dma_start3A, %dma_start3A_66] : memref<20000x128xf32, #tpu.memory_space<hbm>> -> memref<20000x128xf32, #tpu.memory_space<hbm>>
      tpu.enqueue_indirect_dma source(%dma_start3A_67 : memref<20000x128xf32, #tpu.memory_space<hbm>>) target(%arg22 : memref<200x128xf32, #tpu.memory_space<vmem>>) offsets(%arg24 : memref<200xi32, #tpu.memory_space<vmem>>) semaphore(%arg27 : memref<!tpu.dma_semaphore, #tpu.memory_space<semaphore_mem>>)
      %dma_wait3A = arith.constant 0 : i32
      %dma_wait3A_68 = arith.constant 0 : i32
      %dma_wait3A_69 = tpu.memref_slice %arg3[%dma_wait3A, %dma_wait3A_68] : memref<20000x128xf32, #tpu.memory_space<hbm>> -> memref<20000x128xf32, #tpu.memory_space<hbm>>
      tpu.wait_indirect_dma semaphore(%arg27 : memref<!tpu.dma_semaphore, #tpu.memory_space<semaphore_mem>>) src(%dma_wait3A_69 : memref<20000x128xf32, #tpu.memory_space<hbm>>) dst(%arg22 : memref<200x128xf32, #tpu.memory_space<vmem>>)
      "tpu.region"() ({
        %run_scoped3A = tpu.sem_alloc : memref<!tpu.dma_semaphore, #tpu.memory_space<semaphore_mem>>
        %dma_start3A_70 = arith.constant 0 : i32
        %dma_start3A_71 = arith.constant 0 : i32
        %dma_start3A_72 = tpu.memref_slice %arg21[%dma_start3A_70, %dma_start3A_71] : memref<10240x128xf32, #tpu.memory_space<vmem_shared>> -> memref<10240x128xf32, #tpu.memory_space<vmem_shared>>
        tpu.enqueue_indirect_dma source(%arg22 : memref<200x128xf32, #tpu.memory_space<vmem>>) target(%dma_start3A_72 : memref<10240x128xf32, #tpu.memory_space<vmem_shared>>) offsets(%arg25 : memref<200xi32, #tpu.memory_space<vmem>>) semaphore(%run_scoped3A : memref<!tpu.dma_semaphore, #tpu.memory_space<semaphore_mem>>) {add = true}
        %dma_wait3A_73 = arith.constant 0 : i32
        %dma_wait3A_74 = arith.constant 0 : i32
        %dma_wait3A_75 = tpu.memref_slice %arg21[%dma_wait3A_73, %dma_wait3A_74] : memref<10240x128xf32, #tpu.memory_space<vmem_shared>> -> memref<10240x128xf32, #tpu.memory_space<vmem_shared>>
        tpu.wait_indirect_dma semaphore(%run_scoped3A : memref<!tpu.dma_semaphore, #tpu.memory_space<semaphore_mem>>) src(%arg22 : memref<200x128xf32, #tpu.memory_space<vmem>>) dst(%dma_wait3A_75 : memref<10240x128xf32, #tpu.memory_space<vmem_shared>>)
        tpu.yield
      }) : () -> ()
    }
    %scan3A_37 = arith.constant 50 : i32
    %barrier3A_38 = arith.constant 0 : index
    tpu.barrier barrier_id(%barrier3A_38)
    "tpu.region"() ({
      %run_scoped3A = tpu.sem_alloc : memref<!tpu.dma_semaphore, #tpu.memory_space<semaphore_mem>>
      %dma_start3A = arith.constant 0 : i32
      %dma_start3A_46 = tpu.memref_slice %arg17[%multiple_of3A_5, %dma_start3A] : memref<20480x128xf32, #tpu.memory_space<hbm>> -> memref<640x128xf32, #tpu.memory_space<hbm>>
      %dma_start3A_47 = arith.constant 0 : i32
      %dma_start3A_48 = tpu.memref_slice %arg21[%multiple_of3A, %dma_start3A_47] : memref<10240x128xf32, #tpu.memory_space<vmem_shared>> -> memref<640x128xf32, #tpu.memory_space<vmem_shared>>
      tpu.enqueue_dma source(%dma_start3A_48 : memref<640x128xf32, #tpu.memory_space<vmem_shared>>) target(%dma_start3A_46 : memref<640x128xf32, #tpu.memory_space<hbm>>) target_semaphore(%run_scoped3A : memref<!tpu.dma_semaphore, #tpu.memory_space<semaphore_mem>>)
      %dma_wait3A = arith.constant 0 : i32
      %dma_wait3A_49 = tpu.memref_slice %arg17[%multiple_of3A_5, %dma_wait3A] : memref<20480x128xf32, #tpu.memory_space<hbm>> -> memref<640x128xf32, #tpu.memory_space<hbm>>
      %dma_wait3A_50 = arith.constant 0 : i32
      %dma_wait3A_51 = tpu.memref_slice %arg21[%multiple_of3A, %dma_wait3A_50] : memref<10240x128xf32, #tpu.memory_space<vmem_shared>> -> memref<640x128xf32, #tpu.memory_space<vmem_shared>>
      tpu.wait_dma2 semaphore(%run_scoped3A : memref<!tpu.dma_semaphore, #tpu.memory_space<semaphore_mem>>) src(%dma_wait3A_51 : memref<640x128xf32, #tpu.memory_space<vmem_shared>>) dst(%dma_wait3A_49 : memref<640x128xf32, #tpu.memory_space<hbm>>)
      tpu.yield
    }) : () -> ()
    "tpu.region"() ({
      %run_scoped3A = tpu.sem_alloc : memref<!tpu.dma_semaphore, #tpu.memory_space<semaphore_mem>>
      %dma_start3A = arith.constant 0 : i32
      %dma_start3A_46 = tpu.memref_slice %arg21[%multiple_of3A, %dma_start3A] : memref<10240x128xf32, #tpu.memory_space<vmem_shared>> -> memref<640x128xf32, #tpu.memory_space<vmem_shared>>
      %dma_start3A_47 = arith.constant 0 : i32
      %dma_start3A_48 = tpu.memref_slice %arg13[%multiple_of3A, %dma_start3A_47] : memref<10240x128xf32, #tpu.memory_space<hbm>> -> memref<640x128xf32, #tpu.memory_space<hbm>>
      tpu.enqueue_dma source(%dma_start3A_48 : memref<640x128xf32, #tpu.memory_space<hbm>>) target(%dma_start3A_46 : memref<640x128xf32, #tpu.memory_space<vmem_shared>>) target_semaphore(%run_scoped3A : memref<!tpu.dma_semaphore, #tpu.memory_space<semaphore_mem>>)
      %dma_wait3A = arith.constant 0 : i32
      %dma_wait3A_49 = tpu.memref_slice %arg21[%multiple_of3A, %dma_wait3A] : memref<10240x128xf32, #tpu.memory_space<vmem_shared>> -> memref<640x128xf32, #tpu.memory_space<vmem_shared>>
      %dma_wait3A_50 = arith.constant 0 : i32
      %dma_wait3A_51 = tpu.memref_slice %arg13[%multiple_of3A, %dma_wait3A_50] : memref<10240x128xf32, #tpu.memory_space<hbm>> -> memref<640x128xf32, #tpu.memory_space<hbm>>
      tpu.wait_dma2 semaphore(%run_scoped3A : memref<!tpu.dma_semaphore, #tpu.memory_space<semaphore_mem>>) src(%dma_wait3A_51 : memref<640x128xf32, #tpu.memory_space<hbm>>) dst(%dma_wait3A_49 : memref<640x128xf32, #tpu.memory_space<vmem_shared>>)
      tpu.yield
    }) : () -> ()
    %barrier3A_39 = arith.constant 0 : index
    tpu.barrier barrier_id(%barrier3A_39)
    %scan3A_40 = arith.constant 0 : i32
    %scan3A_41 = arith.constant 32 : i32
    %scan3A_42 = arith.addi %scan3A_40, %scan3A_41 : i32
    %scan3A_43 = arith.constant 1 : i32
    scf.for %scan3A_46 = %scan3A_40 to %scan3A_42 step %scan3A_43  : i32 {
      %mul3A_47 = arith.constant 1 : i32
      %mul3A_48 = arith.muli %scan3A_46, %mul3A_47 : i32
      %add3A_49 = arith.constant 0 : i32
      %add3A_50 = arith.addi %add3A_49, %mul3A_48 : i32
      %mul3A_51 = arith.constant 16 : i32
      %mul3A_52 = arith.muli %arg0, %mul3A_51 : i32
      %add3A_53 = arith.addi %mul3A_52, %arg1 : i32
      %mul3A_54 = arith.constant 5120 : i32
      %mul3A_55 = arith.muli %add3A_53, %mul3A_54 : i32
      %mul3A_56 = arith.constant 160 : i32
      %mul3A_57 = arith.muli %add3A_50, %mul3A_56 : i32
      %add3A_58 = arith.addi %mul3A_55, %mul3A_57 : i32
      %multiple_of3A_59 = tpu.assume_multiple %add3A_58, 8 : i32
      "tpu.region"() ({
        %run_scoped3A = tpu.sem_alloc : memref<!tpu.dma_semaphore, #tpu.memory_space<semaphore_mem>>
        %dma_start3A = tpu.memref_slice %arg12[%multiple_of3A_59] : memref<163840xi32, #tpu.memory_space<hbm>> -> memref<160xi32, #tpu.memory_space<hbm>>
        %dma_start3A_60 = tpu.memref_slice %arg12[%multiple_of3A_59] : memref<163840xi32, #tpu.memory_space<hbm>> -> memref<160xi32, #tpu.memory_space<hbm>>
        tpu.enqueue_dma source(%dma_start3A_60 : memref<160xi32, #tpu.memory_space<hbm>>) target(%arg26 : memref<160xi32, #tpu.memory_space<vmem>>) target_semaphore(%run_scoped3A : memref<!tpu.dma_semaphore, #tpu.memory_space<semaphore_mem>>)
        %dma_wait3A = tpu.memref_slice %arg12[%multiple_of3A_59] : memref<163840xi32, #tpu.memory_space<hbm>> -> memref<160xi32, #tpu.memory_space<hbm>>
        %dma_wait3A_61 = tpu.memref_slice %arg12[%multiple_of3A_59] : memref<163840xi32, #tpu.memory_space<hbm>> -> memref<160xi32, #tpu.memory_space<hbm>>
        tpu.wait_dma2 semaphore(%run_scoped3A : memref<!tpu.dma_semaphore, #tpu.memory_space<semaphore_mem>>) src(%dma_wait3A_61 : memref<160xi32, #tpu.memory_space<hbm>>) dst(%arg26 : memref<160xi32, #tpu.memory_space<vmem>>)
        tpu.yield
      }) : () -> ()
      "tpu.region"() ({
        %run_scoped3A = tpu.sem_alloc : memref<!tpu.dma_semaphore, #tpu.memory_space<semaphore_mem>>
        %dma_start3A = arith.constant 0 : i32
        %dma_start3A_60 = arith.constant 0 : i32
        %dma_start3A_61 = tpu.memref_slice %arg21[%dma_start3A, %dma_start3A_60] : memref<10240x128xf32, #tpu.memory_space<vmem_shared>> -> memref<10240x128xf32, #tpu.memory_space<vmem_shared>>
        tpu.enqueue_indirect_dma source(%arg23 : memref<160x128xf32, #tpu.memory_space<vmem>>) target(%dma_start3A_61 : memref<10240x128xf32, #tpu.memory_space<vmem_shared>>) offsets(%arg26 : memref<160xi32, #tpu.memory_space<vmem>>) semaphore(%run_scoped3A : memref<!tpu.dma_semaphore, #tpu.memory_space<semaphore_mem>>) {add = true}
        %dma_wait3A = arith.constant 0 : i32
        %dma_wait3A_62 = arith.constant 0 : i32
        %dma_wait3A_63 = tpu.memref_slice %arg21[%dma_wait3A, %dma_wait3A_62] : memref<10240x128xf32, #tpu.memory_space<vmem_shared>> -> memref<10240x128xf32, #tpu.memory_space<vmem_shared>>
        tpu.wait_indirect_dma semaphore(%run_scoped3A : memref<!tpu.dma_semaphore, #tpu.memory_space<semaphore_mem>>) src(%arg23 : memref<160x128xf32, #tpu.memory_space<vmem>>) dst(%dma_wait3A_63 : memref<10240x128xf32, #tpu.memory_space<vmem_shared>>)
        tpu.yield
      }) : () -> ()
    }
    %scan3A_44 = arith.constant 32 : i32
    %barrier3A_45 = arith.constant 0 : index
    tpu.barrier barrier_id(%barrier3A_45)
    "tpu.region"() ({
      %run_scoped3A = tpu.sem_alloc : memref<!tpu.dma_semaphore, #tpu.memory_space<semaphore_mem>>
      %dma_start3A = arith.constant 0 : i32
      %dma_start3A_46 = tpu.memref_slice %arg20[%multiple_of3A_5, %dma_start3A] : memref<20480x128xf32, #tpu.memory_space<hbm>> -> memref<640x128xf32, #tpu.memory_space<hbm>>
      %dma_start3A_47 = arith.constant 0 : i32
      %dma_start3A_48 = tpu.memref_slice %arg21[%multiple_of3A, %dma_start3A_47] : memref<10240x128xf32, #tpu.memory_space<vmem_shared>> -> memref<640x128xf32, #tpu.memory_space<vmem_shared>>
      tpu.enqueue_dma source(%dma_start3A_48 : memref<640x128xf32, #tpu.memory_space<vmem_shared>>) target(%dma_start3A_46 : memref<640x128xf32, #tpu.memory_space<hbm>>) target_semaphore(%run_scoped3A : memref<!tpu.dma_semaphore, #tpu.memory_space<semaphore_mem>>)
      %dma_wait3A = arith.constant 0 : i32
      %dma_wait3A_49 = tpu.memref_slice %arg20[%multiple_of3A_5, %dma_wait3A] : memref<20480x128xf32, #tpu.memory_space<hbm>> -> memref<640x128xf32, #tpu.memory_space<hbm>>
      %dma_wait3A_50 = arith.constant 0 : i32
      %dma_wait3A_51 = tpu.memref_slice %arg21[%multiple_of3A, %dma_wait3A_50] : memref<10240x128xf32, #tpu.memory_space<vmem_shared>> -> memref<640x128xf32, #tpu.memory_space<vmem_shared>>
      tpu.wait_dma2 semaphore(%run_scoped3A : memref<!tpu.dma_semaphore, #tpu.memory_space<semaphore_mem>>) src(%dma_wait3A_51 : memref<640x128xf32, #tpu.memory_space<vmem_shared>>) dst(%dma_wait3A_49 : memref<640x128xf32, #tpu.memory_space<hbm>>)
      tpu.yield
    }) : () -> ()
    return
  }
}

module attributes {stable_mosaic.version = 14 : i64} {
  func.func @_tc_body(%arg0: i32, %arg1: memref<1280x128xf32, #tpu.memory_space<vmem>>, %arg2: memref<1280x128xf32, #tpu.memory_space<vmem>>, %arg3: memref<1280x128xf32, #tpu.memory_space<vmem>>, %arg4: memref<1280x128xf32, #tpu.memory_space<vmem>>, %arg5: memref<1280x128xf32, #tpu.memory_space<vmem>>, %arg6: memref<1280x128xf32, #tpu.memory_space<vmem>>, %arg7: memref<1280x128xf32, #tpu.memory_space<vmem>>, %arg8: memref<1280x128xf32, #tpu.memory_space<vmem>>, %arg9: memref<1280x128xf32, #tpu.memory_space<vmem>>, %arg10: memref<1280x128xf32, #tpu.memory_space<vmem>>, %arg11: memref<1280x128xf32, #tpu.memory_space<vmem>>, %arg12: memref<1280x128xf32, #tpu.memory_space<vmem>>, %arg13: memref<256x256xf32, #tpu.memory_space<vmem>>, %arg14: memref<1x256xf32, #tpu.memory_space<vmem>>, %arg15: memref<256x256xf32, #tpu.memory_space<vmem>>, %arg16: memref<1x256xf32, #tpu.memory_space<vmem>>, %arg17: memref<256x256xf32, #tpu.memory_space<vmem>>, %arg18: memref<1x256xf32, #tpu.memory_space<vmem>>, %arg19: memref<1280x256xf32, #tpu.memory_space<vmem>>, %arg20: memref<1280x256xf32, #tpu.memory_space<vmem>>) attributes {dimension_semantics = [#tpu.dimension_semantics<arbitrary>], iteration_bounds = array<i64: 8>, scalar_prefetch = 0 : i64, scratch_operands = 0 : i64, tpu.core_type = #tpu.core_type<tc>, window_params = [{transform_indices = @transform_0, window_bounds = array<i64: 1280, 128>}, {transform_indices = @transform_1, window_bounds = array<i64: 1280, 128>}, {transform_indices = @transform_2, window_bounds = array<i64: 1280, 128>}, {transform_indices = @transform_3, window_bounds = array<i64: 1280, 128>}, {transform_indices = @transform_4, window_bounds = array<i64: 1280, 128>}, {transform_indices = @transform_5, window_bounds = array<i64: 1280, 128>}, {transform_indices = @transform_6, window_bounds = array<i64: 1280, 128>}, {transform_indices = @transform_7, window_bounds = array<i64: 1280, 128>}, {transform_indices = @transform_8, window_bounds = array<i64: 1280, 128>}, {transform_indices = @transform_9, window_bounds = array<i64: 1280, 128>}, {transform_indices = @transform_10, window_bounds = array<i64: 1280, 128>}, {transform_indices = @transform_11, window_bounds = array<i64: 1280, 128>}, {pipeline_mode = #tpu.pipeline_mode<synchronous>, transform_indices = @transform_12, window_bounds = array<i64: 256, 256>}, {pipeline_mode = #tpu.pipeline_mode<synchronous>, transform_indices = @transform_13, window_bounds = array<i64: 1, 256>}, {pipeline_mode = #tpu.pipeline_mode<synchronous>, transform_indices = @transform_14, window_bounds = array<i64: 256, 256>}, {pipeline_mode = #tpu.pipeline_mode<synchronous>, transform_indices = @transform_15, window_bounds = array<i64: 1, 256>}, {pipeline_mode = #tpu.pipeline_mode<synchronous>, transform_indices = @transform_16, window_bounds = array<i64: 256, 256>}, {pipeline_mode = #tpu.pipeline_mode<synchronous>, transform_indices = @transform_17, window_bounds = array<i64: 1, 256>}, {transform_indices = @transform_18, window_bounds = array<i64: 1280, 256>}, {transform_indices = @transform_19, window_bounds = array<i64: 1280, 256>}]} {
    %get3A = arith.constant 0 : index
    %get3A_0 = arith.constant 0 : index
    %get3A_1 = vector.load %arg3[%get3A, %get3A_0] : memref<1280x128xf32, #tpu.memory_space<vmem>>, vector<1280x1xf32>
    %get3A_2 = arith.constant 0 : index
    %get3A_3 = arith.constant 0 : index
    %get3A_4 = vector.load %arg4[%get3A_2, %get3A_3] : memref<1280x128xf32, #tpu.memory_space<vmem>>, vector<1280x1xf32>
    %add3A = arith.addf %get3A_1, %get3A_4 : vector<1280x1xf32>
    %max3A = arith.constant 1.000000e+00 : f32
    %max3A_5 = vector.broadcast %max3A : f32 to vector<1280x1xf32>
    %max3A_6 = arith.maximumf %add3A, %max3A_5 : vector<1280x1xf32>
    %div3A = arith.constant 1.000000e+00 : f32
    %div3A_7 = vector.broadcast %div3A : f32 to vector<1280x1xf32>
    %div3A_8 = arith.divf %div3A_7, %max3A_6 : vector<1280x1xf32>
    %gt3A = arith.constant 0.000000e+00 : f32
    %gt3A_9 = vector.broadcast %gt3A : f32 to vector<1280x1xf32>
    %gt3A_10 = arith.cmpf ogt, %add3A, %gt3A_9 : vector<1280x1xf32>
    %convert_element_type3A = arith.extui %gt3A_10 : vector<1280x1xi1> to vector<1280x1xi32>
    %convert_element_type3A_11 = arith.sitofp %convert_element_type3A : vector<1280x1xi32> to vector<1280x1xf32>
    %get3A_12 = arith.constant 0 : index
    %get3A_13 = arith.constant 0 : index
    %get3A_14 = vector.load %arg1[%get3A_12, %get3A_13] : memref<1280x128xf32, #tpu.memory_space<vmem>>, vector<1280x128xf32>
    %mul3A = vector.broadcast %div3A_8 : vector<1280x1xf32> to vector<1280x128xf32>
    %mul3A_15 = arith.mulf %get3A_14, %mul3A : vector<1280x128xf32>
    %get3A_16 = arith.constant 0 : index
    %get3A_17 = arith.constant 0 : index
    %get3A_18 = vector.load %arg2[%get3A_16, %get3A_17] : memref<1280x128xf32, #tpu.memory_space<vmem>>, vector<1280x128xf32>
    %mul3A_19 = vector.broadcast %div3A_8 : vector<1280x1xf32> to vector<1280x128xf32>
    %mul3A_20 = arith.mulf %get3A_18, %mul3A_19 : vector<1280x128xf32>
    %get3A_21 = arith.constant 0 : index
    %get3A_22 = arith.constant 0 : index
    %get3A_23 = vector.load %arg13[%get3A_21, %get3A_22] : memref<256x256xf32, #tpu.memory_space<vmem>>, vector<256x256xf32>
    %slice3A = vector.extract_strided_slice %get3A_23 {offsets = [0, 0], sizes = [256, 128], strides = [1, 1]} : vector<256x256xf32> to vector<256x128xf32>
    %dot_general3A = arith.constant dense<0.000000e+00> : vector<1280x256xf32>
    %dot_general3A_24 = tpu.matmul %mul3A_15, %slice3A, %dot_general3A {dimension_numbers = #tpu.dot_dimension_numbers<[1], [1], [0], [0], [0, 0, 1, 0], [], []>, transpose_lhs_hint = false} : vector<1280x128xf32>, vector<256x128xf32>, vector<1280x256xf32> -> vector<1280x256xf32>
    %slice3A_25 = vector.extract_strided_slice %get3A_23 {offsets = [0, 128], sizes = [256, 128], strides = [1, 1]} : vector<256x256xf32> to vector<256x128xf32>
    %dot_general3A_26 = arith.constant dense<0.000000e+00> : vector<1280x256xf32>
    %dot_general3A_27 = tpu.matmul %mul3A_20, %slice3A_25, %dot_general3A_26 {dimension_numbers = #tpu.dot_dimension_numbers<[1], [1], [0], [0], [0, 0, 1, 0], [], []>, transpose_lhs_hint = false} : vector<1280x128xf32>, vector<256x128xf32>, vector<1280x256xf32> -> vector<1280x256xf32>
    %add3A_28 = arith.addf %dot_general3A_24, %dot_general3A_27 : vector<1280x256xf32>
    %get3A_29 = arith.constant 0 : index
    %get3A_30 = arith.constant 0 : index
    %get3A_31 = vector.load %arg14[%get3A_29, %get3A_30] : memref<1x256xf32, #tpu.memory_space<vmem>>, vector<1x256xf32>
    %mul3A_32 = vector.broadcast %get3A_31 : vector<1x256xf32> to vector<1280x256xf32>
    %mul3A_33 = vector.broadcast %convert_element_type3A_11 : vector<1280x1xf32> to vector<1280x256xf32>
    %mul3A_34 = arith.mulf %mul3A_32, %mul3A_33 : vector<1280x256xf32>
    %add3A_35 = arith.addf %add3A_28, %mul3A_34 : vector<1280x256xf32>
    %get3A_36 = arith.constant 0 : index
    %get3A_37 = arith.constant 0 : index
    %get3A_38 = vector.load %arg7[%get3A_36, %get3A_37] : memref<1280x128xf32, #tpu.memory_space<vmem>>, vector<1280x1xf32>
    %get3A_39 = arith.constant 0 : index
    %get3A_40 = arith.constant 0 : index
    %get3A_41 = vector.load %arg8[%get3A_39, %get3A_40] : memref<1280x128xf32, #tpu.memory_space<vmem>>, vector<1280x1xf32>
    %add3A_42 = arith.addf %get3A_38, %get3A_41 : vector<1280x1xf32>
    %max3A_43 = arith.constant 1.000000e+00 : f32
    %max3A_44 = vector.broadcast %max3A_43 : f32 to vector<1280x1xf32>
    %max3A_45 = arith.maximumf %add3A_42, %max3A_44 : vector<1280x1xf32>
    %div3A_46 = arith.constant 1.000000e+00 : f32
    %div3A_47 = vector.broadcast %div3A_46 : f32 to vector<1280x1xf32>
    %div3A_48 = arith.divf %div3A_47, %max3A_45 : vector<1280x1xf32>
    %gt3A_49 = arith.constant 0.000000e+00 : f32
    %gt3A_50 = vector.broadcast %gt3A_49 : f32 to vector<1280x1xf32>
    %gt3A_51 = arith.cmpf ogt, %add3A_42, %gt3A_50 : vector<1280x1xf32>
    %convert_element_type3A_52 = arith.extui %gt3A_51 : vector<1280x1xi1> to vector<1280x1xi32>
    %convert_element_type3A_53 = arith.sitofp %convert_element_type3A_52 : vector<1280x1xi32> to vector<1280x1xf32>
    %get3A_54 = arith.constant 0 : index
    %get3A_55 = arith.constant 0 : index
    %get3A_56 = vector.load %arg5[%get3A_54, %get3A_55] : memref<1280x128xf32, #tpu.memory_space<vmem>>, vector<1280x128xf32>
    %mul3A_57 = vector.broadcast %div3A_48 : vector<1280x1xf32> to vector<1280x128xf32>
    %mul3A_58 = arith.mulf %get3A_56, %mul3A_57 : vector<1280x128xf32>
    %get3A_59 = arith.constant 0 : index
    %get3A_60 = arith.constant 0 : index
    %get3A_61 = vector.load %arg6[%get3A_59, %get3A_60] : memref<1280x128xf32, #tpu.memory_space<vmem>>, vector<1280x128xf32>
    %mul3A_62 = vector.broadcast %div3A_48 : vector<1280x1xf32> to vector<1280x128xf32>
    %mul3A_63 = arith.mulf %get3A_61, %mul3A_62 : vector<1280x128xf32>
    %get3A_64 = arith.constant 0 : index
    %get3A_65 = arith.constant 0 : index
    %get3A_66 = vector.load %arg15[%get3A_64, %get3A_65] : memref<256x256xf32, #tpu.memory_space<vmem>>, vector<256x256xf32>
    %slice3A_67 = vector.extract_strided_slice %get3A_66 {offsets = [0, 0], sizes = [256, 128], strides = [1, 1]} : vector<256x256xf32> to vector<256x128xf32>
    %dot_general3A_68 = arith.constant dense<0.000000e+00> : vector<1280x256xf32>
    %dot_general3A_69 = tpu.matmul %mul3A_58, %slice3A_67, %dot_general3A_68 {dimension_numbers = #tpu.dot_dimension_numbers<[1], [1], [0], [0], [0, 0, 1, 0], [], []>, transpose_lhs_hint = false} : vector<1280x128xf32>, vector<256x128xf32>, vector<1280x256xf32> -> vector<1280x256xf32>
    %slice3A_70 = vector.extract_strided_slice %get3A_66 {offsets = [0, 128], sizes = [256, 128], strides = [1, 1]} : vector<256x256xf32> to vector<256x128xf32>
    %dot_general3A_71 = arith.constant dense<0.000000e+00> : vector<1280x256xf32>
    %dot_general3A_72 = tpu.matmul %mul3A_63, %slice3A_70, %dot_general3A_71 {dimension_numbers = #tpu.dot_dimension_numbers<[1], [1], [0], [0], [0, 0, 1, 0], [], []>, transpose_lhs_hint = false} : vector<1280x128xf32>, vector<256x128xf32>, vector<1280x256xf32> -> vector<1280x256xf32>
    %add3A_73 = arith.addf %dot_general3A_69, %dot_general3A_72 : vector<1280x256xf32>
    %get3A_74 = arith.constant 0 : index
    %get3A_75 = arith.constant 0 : index
    %get3A_76 = vector.load %arg16[%get3A_74, %get3A_75] : memref<1x256xf32, #tpu.memory_space<vmem>>, vector<1x256xf32>
    %mul3A_77 = vector.broadcast %get3A_76 : vector<1x256xf32> to vector<1280x256xf32>
    %mul3A_78 = vector.broadcast %convert_element_type3A_53 : vector<1280x1xf32> to vector<1280x256xf32>
    %mul3A_79 = arith.mulf %mul3A_77, %mul3A_78 : vector<1280x256xf32>
    %add3A_80 = arith.addf %add3A_73, %mul3A_79 : vector<1280x256xf32>
    %add3A_81 = arith.addf %add3A_35, %add3A_80 : vector<1280x256xf32>
    %swap3A = arith.constant 0 : index
    %swap3A_82 = arith.constant 0 : index
    %swap3A_83 = vector.load %arg19[%swap3A, %swap3A_82] : memref<1280x256xf32, #tpu.memory_space<vmem>>, vector<1280x256xf32>
    tpu.vector_store %arg19[%swap3A, %swap3A_82], %add3A_81 {strides = array<i32>} : memref<1280x256xf32, #tpu.memory_space<vmem>>, vector<1280x256xf32>,
    %get3A_84 = arith.constant 0 : index
    %get3A_85 = arith.constant 0 : index
    %get3A_86 = vector.load %arg11[%get3A_84, %get3A_85] : memref<1280x128xf32, #tpu.memory_space<vmem>>, vector<1280x1xf32>
    %get3A_87 = arith.constant 0 : index
    %get3A_88 = arith.constant 0 : index
    %get3A_89 = vector.load %arg12[%get3A_87, %get3A_88] : memref<1280x128xf32, #tpu.memory_space<vmem>>, vector<1280x1xf32>
    %add3A_90 = arith.addf %get3A_86, %get3A_89 : vector<1280x1xf32>
    %max3A_91 = arith.constant 1.000000e+00 : f32
    %max3A_92 = vector.broadcast %max3A_91 : f32 to vector<1280x1xf32>
    %max3A_93 = arith.maximumf %add3A_90, %max3A_92 : vector<1280x1xf32>
    %div3A_94 = arith.constant 1.000000e+00 : f32
    %div3A_95 = vector.broadcast %div3A_94 : f32 to vector<1280x1xf32>
    %div3A_96 = arith.divf %div3A_95, %max3A_93 : vector<1280x1xf32>
    %gt3A_97 = arith.constant 0.000000e+00 : f32
    %gt3A_98 = vector.broadcast %gt3A_97 : f32 to vector<1280x1xf32>
    %gt3A_99 = arith.cmpf ogt, %add3A_90, %gt3A_98 : vector<1280x1xf32>
    %convert_element_type3A_100 = arith.extui %gt3A_99 : vector<1280x1xi1> to vector<1280x1xi32>
    %convert_element_type3A_101 = arith.sitofp %convert_element_type3A_100 : vector<1280x1xi32> to vector<1280x1xf32>
    %get3A_102 = arith.constant 0 : index
    %get3A_103 = arith.constant 0 : index
    %get3A_104 = vector.load %arg9[%get3A_102, %get3A_103] : memref<1280x128xf32, #tpu.memory_space<vmem>>, vector<1280x128xf32>
    %mul3A_105 = vector.broadcast %div3A_96 : vector<1280x1xf32> to vector<1280x128xf32>
    %mul3A_106 = arith.mulf %get3A_104, %mul3A_105 : vector<1280x128xf32>
    %get3A_107 = arith.constant 0 : index
    %get3A_108 = arith.constant 0 : index
    %get3A_109 = vector.load %arg10[%get3A_107, %get3A_108] : memref<1280x128xf32, #tpu.memory_space<vmem>>, vector<1280x128xf32>
    %mul3A_110 = vector.broadcast %div3A_96 : vector<1280x1xf32> to vector<1280x128xf32>
    %mul3A_111 = arith.mulf %get3A_109, %mul3A_110 : vector<1280x128xf32>
    %get3A_112 = arith.constant 0 : index
    %get3A_113 = arith.constant 0 : index
    %get3A_114 = vector.load %arg17[%get3A_112, %get3A_113] : memref<256x256xf32, #tpu.memory_space<vmem>>, vector<256x256xf32>
    %slice3A_115 = vector.extract_strided_slice %get3A_114 {offsets = [0, 0], sizes = [256, 128], strides = [1, 1]} : vector<256x256xf32> to vector<256x128xf32>
    %dot_general3A_116 = arith.constant dense<0.000000e+00> : vector<1280x256xf32>
    %dot_general3A_117 = tpu.matmul %mul3A_106, %slice3A_115, %dot_general3A_116 {dimension_numbers = #tpu.dot_dimension_numbers<[1], [1], [0], [0], [0, 0, 1, 0], [], []>, transpose_lhs_hint = false} : vector<1280x128xf32>, vector<256x128xf32>, vector<1280x256xf32> -> vector<1280x256xf32>
    %slice3A_118 = vector.extract_strided_slice %get3A_114 {offsets = [0, 128], sizes = [256, 128], strides = [1, 1]} : vector<256x256xf32> to vector<256x128xf32>
    %dot_general3A_119 = arith.constant dense<0.000000e+00> : vector<1280x256xf32>
    %dot_general3A_120 = tpu.matmul %mul3A_111, %slice3A_118, %dot_general3A_119 {dimension_numbers = #tpu.dot_dimension_numbers<[1], [1], [0], [0], [0, 0, 1, 0], [], []>, transpose_lhs_hint = false} : vector<1280x128xf32>, vector<256x128xf32>, vector<1280x256xf32> -> vector<1280x256xf32>
    %add3A_121 = arith.addf %dot_general3A_117, %dot_general3A_120 : vector<1280x256xf32>
    %get3A_122 = arith.constant 0 : index
    %get3A_123 = arith.constant 0 : index
    %get3A_124 = vector.load %arg18[%get3A_122, %get3A_123] : memref<1x256xf32, #tpu.memory_space<vmem>>, vector<1x256xf32>
    %mul3A_125 = vector.broadcast %get3A_124 : vector<1x256xf32> to vector<1280x256xf32>
    %mul3A_126 = vector.broadcast %convert_element_type3A_101 : vector<1280x1xf32> to vector<1280x256xf32>
    %mul3A_127 = arith.mulf %mul3A_125, %mul3A_126 : vector<1280x256xf32>
    %add3A_128 = arith.addf %add3A_121, %mul3A_127 : vector<1280x256xf32>
    %swap3A_129 = arith.constant 0 : index
    %swap3A_130 = arith.constant 0 : index
    %swap3A_131 = vector.load %arg20[%swap3A_129, %swap3A_130] : memref<1280x256xf32, #tpu.memory_space<vmem>>, vector<1280x256xf32>
    tpu.vector_store %arg20[%swap3A_129, %swap3A_130], %add3A_128 {strides = array<i32>} : memref<1280x256xf32, #tpu.memory_space<vmem>>, vector<1280x256xf32>,
    return
  }
  func.func @transform_0(%arg0: i32) -> (i32, i32) {
    %c0_i32 = arith.constant 0 : i32
    %c0_i32_0 = arith.constant 0 : i32
    return %arg0, %c0_i32 : i32, i32
  }
  func.func @transform_1(%arg0: i32) -> (i32, i32) {
    %add3A = arith.constant 8 : i32
    %add3A_0 = arith.addi %add3A, %arg0 : i32
    %c0_i32 = arith.constant 0 : i32
    %c0_i32_1 = arith.constant 0 : i32
    return %add3A_0, %c0_i32 : i32, i32
  }
  func.func @transform_2(%arg0: i32) -> (i32, i32) {
    %c0_i32 = arith.constant 0 : i32
    %c0_i32_0 = arith.constant 0 : i32
    return %arg0, %c0_i32 : i32, i32
  }
  func.func @transform_3(%arg0: i32) -> (i32, i32) {
    %add3A = arith.constant 8 : i32
    %add3A_0 = arith.addi %add3A, %arg0 : i32
    %c0_i32 = arith.constant 0 : i32
    %c0_i32_1 = arith.constant 0 : i32
    return %add3A_0, %c0_i32 : i32, i32
  }
  func.func @transform_4(%arg0: i32) -> (i32, i32) {
    %c0_i32 = arith.constant 0 : i32
    %c0_i32_0 = arith.constant 0 : i32
    return %arg0, %c0_i32 : i32, i32
  }
  func.func @transform_5(%arg0: i32) -> (i32, i32) {
    %add3A = arith.constant 8 : i32
    %add3A_0 = arith.addi %add3A, %arg0 : i32
    %c0_i32 = arith.constant 0 : i32
    %c0_i32_1 = arith.constant 0 : i32
    return %add3A_0, %c0_i32 : i32, i32
  }
  func.func @transform_6(%arg0: i32) -> (i32, i32) {
    %c0_i32 = arith.constant 0 : i32
    %c0_i32_0 = arith.constant 0 : i32
    return %arg0, %c0_i32 : i32, i32
  }
  func.func @transform_7(%arg0: i32) -> (i32, i32) {
    %add3A = arith.constant 8 : i32
    %add3A_0 = arith.addi %add3A, %arg0 : i32
    %c0_i32 = arith.constant 0 : i32
    %c0_i32_1 = arith.constant 0 : i32
    return %add3A_0, %c0_i32 : i32, i32
  }
  func.func @transform_8(%arg0: i32) -> (i32, i32) {
    %c0_i32 = arith.constant 0 : i32
    %c0_i32_0 = arith.constant 0 : i32
    return %arg0, %c0_i32 : i32, i32
  }
  func.func @transform_9(%arg0: i32) -> (i32, i32) {
    %add3A = arith.constant 8 : i32
    %add3A_0 = arith.addi %add3A, %arg0 : i32
    %c0_i32 = arith.constant 0 : i32
    %c0_i32_1 = arith.constant 0 : i32
    return %add3A_0, %c0_i32 : i32, i32
  }
  func.func @transform_10(%arg0: i32) -> (i32, i32) {
    %c0_i32 = arith.constant 0 : i32
    %c0_i32_0 = arith.constant 0 : i32
    return %arg0, %c0_i32 : i32, i32
  }
  func.func @transform_11(%arg0: i32) -> (i32, i32) {
    %add3A = arith.constant 8 : i32
    %add3A_0 = arith.addi %add3A, %arg0 : i32
    %c0_i32 = arith.constant 0 : i32
    %c0_i32_1 = arith.constant 0 : i32
    return %add3A_0, %c0_i32 : i32, i32
  }
  func.func @transform_12(%arg0: i32) -> (i32, i32) {
    %c0_i32 = arith.constant 0 : i32
    %c0_i32_0 = arith.constant 0 : i32
    %c0_i32_1 = arith.constant 0 : i32
    return %c0_i32, %c0_i32_0 : i32, i32
  }
  func.func @transform_13(%arg0: i32) -> (i32, i32) {
    %c0_i32 = arith.constant 0 : i32
    %c0_i32_0 = arith.constant 0 : i32
    %c0_i32_1 = arith.constant 0 : i32
    return %c0_i32, %c0_i32_0 : i32, i32
  }
  func.func @transform_14(%arg0: i32) -> (i32, i32) {
    %c0_i32 = arith.constant 0 : i32
    %c0_i32_0 = arith.constant 0 : i32
    %c0_i32_1 = arith.constant 0 : i32
    return %c0_i32, %c0_i32_0 : i32, i32
  }
  func.func @transform_15(%arg0: i32) -> (i32, i32) {
    %c0_i32 = arith.constant 0 : i32
    %c0_i32_0 = arith.constant 0 : i32
    %c0_i32_1 = arith.constant 0 : i32
    return %c0_i32, %c0_i32_0 : i32, i32
  }
  func.func @transform_16(%arg0: i32) -> (i32, i32) {
    %c0_i32 = arith.constant 0 : i32
    %c0_i32_0 = arith.constant 0 : i32
    %c0_i32_1 = arith.constant 0 : i32
    return %c0_i32, %c0_i32_0 : i32, i32
  }
  func.func @transform_17(%arg0: i32) -> (i32, i32) {
    %c0_i32 = arith.constant 0 : i32
    %c0_i32_0 = arith.constant 0 : i32
    %c0_i32_1 = arith.constant 0 : i32
    return %c0_i32, %c0_i32_0 : i32, i32
  }
  func.func @transform_18(%arg0: i32) -> (i32, i32) {
    %c0_i32 = arith.constant 0 : i32
    %c0_i32_0 = arith.constant 0 : i32
    return %arg0, %c0_i32 : i32, i32
  }
  func.func @transform_19(%arg0: i32) -> (i32, i32) {
    %c0_i32 = arith.constant 0 : i32
    %c0_i32_0 = arith.constant 0 : i32
    return %arg0, %c0_i32 : i32, i32
  }
}

</mosaic_0001>

<sc_bundles>
// kernel: kernel.4.cloned.1.call-start
scs
__scs_entry_jumppad:
0x0: {  	(pc) =	sbr.rel $0x88, $3  }
0x1: {  	(tag) =	ssettag $0x0;
	lr =	simm.s32 $0x1  }
0x2: {  	[smem:$0x3F96] =	sst lr;
	_ =	strace $0xD0000000  }
0x3: {  	_ = 	snop  }
0x4: {  	_ = 	snop  }
0x5: {  	_ = 	snop  }
0x6: {  	_ = 	snop  }
0x7: {  	_ = 	snop  }
__scs_overlays_trampoline_lowered:
0x8: {  	[smem:$0x3FA5] =	sst s0  }
0x9: {  	[smem:$0x3FA6] =	sst s1  }
0xa: {  	[smem:$0x3FA7] =	sst s2  }
0xb: {  	[smem:$0x3FA8] =	sst s3  }
0xc: {  	[smem:$0x3FA9] =	sst s4  }
0xd: {  	[smem:$0x3FAA] =	sst s5  }
0xe: {  	[smem:$0x3FAB] =	sst s6  }
0xf: {  	[smem:$0x3FAC] =	sst s7  }
0x10: {  	[smem:$0x3FAD] =	sst s8  }
0x11: {  	[smem:$0x3FAE] =	sst s9;
	s0 =	simm.s32 @!p0 $0x0  }
0x12: {  	s1 =	sld [smem:$0x3F94];
	s0 =	simm.s32 @p0 $0x1  }
0x13: {  	[smem:$0x3FAF] =	sst s0;
	s0 =	simm.s32 @!p1 $0x0  }
0x14: {  	s2 =	sld [smem:$0x3F93];
	s0 =	simm.s32 @p1 $0x1  }
0x15: {  	[smem:$0x3FB0] =	sst s0;
	s0 =	simm.s32 @!p2 $0x0  }
0x16: {  	s3 =	sld [smem:$0x3FDB];
	s0 =	simm.s32 @p2 $0x1  }
0x17: {  	s4 =	simm.s32 $0x1BF5;
	[smem:$0x3FB2] =	sst s0  }
0x18: {  	s0 =	sld [smem:$0x3F95];
	_ =	swait.ge [sflag:s4], $0x0  }
0x19: {  	s7 =	sld [smem:$0x3F96]  }
0x1a: {  	s8 =	sadd.s32 $0xFFFFE003, lr  }
0x1b: {  	s9 =	sadd.s32 $0xFFFFFEF7, lr;
	s5 =	simm.s32 $0xFFFFFFFF;
	p2 =	slt.u32 s8, $0xFFFFF086  }
0x1c: {  	p1 =	slt.u32 s9, $0xF7A;
	s5 =	simm.s32 @!p2 $0x0  }
0x1d: {  	s5 =	simm.s32 @p1 $0x1;
	p0 =	seq.s32 s7, s2  }
0x1e: {  	s7 =	smul.u32 @!p0 $0xF7A, s2;
	p2 =	seq.s32 @!p0 s5, $0x0  }
0x1f: {  	s9 =	smul.u32 $0xF7A, s1;
	s8 =	simm.s32 @!p0 $0x1BF5;
	p2 =	por !p2, p0  }
0x20: {  	[sflag:s8] =	ssyncset.s32 @!p0 $0xFFFFF086;
	s6 =	sadd.s32 @!p0 s3, s7;
	s7 =	simm.s32 @!p0 $0x108  }
0x21: {  	s3 =	sadd.s32 s3, s9;
	s6 =	sadd.s32 @!p0 $0x88, s6;
	s7 =	simm.s32 @p2 $0x1082  }
0x22: {  	[simem:s7], [sflag:s8] =	dma.local @!p0 [hbm:s6], $0xF7A  }
0x23: {  	s9 =	sor.u32 $0xD0000000, s2;
	s6 =	simm.s32 $0x108;
	_ =	swait.ge @!p0 [sflag:s8], $0x0  }
0x24: {  	s3 =	sadd.s32 $0x88, s3;
	s6 =	simm.s32 @!p1 $0x1082;
	[sflag:s4] =	ssyncset.s32 $0xFFFFF086  }
0x25: {  	[simem:s6], [sflag:s4] =	dma.local [hbm:s3], $0xF7A  }
0x26: {  	[smem:$0x3F96] =	sst s1;
	(tag) =	ssettag s2;
	_ =	strace s9  }
0x27: {  	s1 =	sld [smem:$0x3FA6]  }
0x28: {  	s2 =	sld [smem:$0x3FA7]  }
0x29: {  	s4 =	sld [smem:$0x3FA9]  }
0x2a: {  	p0 =	seq.s32 s5, $0x0;
	s5 =	sld [smem:$0x3FAA]  }
0x2b: {  	s6 =	sld [smem:$0x3FAB]  }
0x2c: {  	s7 =	sld [smem:$0x3FAC]  }
0x2d: {  	s3 =	simm.s32 $0x108;
	s8 =	sld [smem:$0x3FAD]  }
0x2e: {  	s3 =	simm.s32 @!p0 $0x1082;
	s9 =	sld [smem:$0x3FAE]  }
0x2f: {  	lr =	sadd.s32 s0, s3;
	s0 =	sld [smem:$0x3FA5]  }
0x30: {  	s3 =	sld [smem:$0x3FA8]  }
0x31: {  	[smem:$0x3FB1] =	sst s10  }
0x32: {  	s10 =	sld [smem:$0x3FAF];
	_ =	sdelay $0x3  }
0x33: {  	p0 =	seq.s32 s10, $0x1;
	s10 =	sld [smem:$0x3FB1];
	_ =	sdelay $0x3  }
0x34: {  	[smem:$0x3FB1] =	sst s10  }
0x35: {  	s10 =	sld [smem:$0x3FB0];
	_ =	sdelay $0x3  }
0x36: {  	p1 =	seq.s32 s10, $0x1;
	s10 =	sld [smem:$0x3FB1];
	_ =	sdelay $0x3  }
0x37: {  	[smem:$0x3FB1] =	sst s10  }
0x38: {  	s10 =	sld [smem:$0x3FB2]  }
0x39: {  	_ = 	snop;
	(pc) =	sbr.ind lr, $3  }
0x3a: {  	_ = 	snop  }
0x3b: {  	_ = 	snop  }
0x3c: {  	p2 =	seq.s32 s10, $0x1;
	s10 =	sld [smem:$0x3FB1]  }
0x3d: {  	_ =	shalt  }
0x3e: {  	_ =	shalt  }
0x3f: {  	_ =	shalt  }
0x40: {  	_ =	shalt  }
0x41: {  	_ =	shalt  }
0x42: {  	_ =	shalt  }
0x43: {  	_ =	shalt  }
0x44: {  	_ =	shalt  }
0x45: {  	_ =	shalt  }
0x46: {  	_ =	shalt  }
0x47: {  	_ =	shalt  }
0x48: {  	_ =	shalt  }
0x49: {  	_ =	shalt  }
0x4a: {  	_ =	shalt  }
0x4b: {  	_ =	shalt  }
0x4c: {  	_ =	shalt  }
0x4d: {  	_ =	shalt  }
0x4e: {  	_ =	shalt  }
0x4f: {  	_ =	shalt  }
0x50: {  	_ =	shalt  }
0x51: {  	_ =	shalt  }
0x52: {  	_ =	shalt  }
0x53: {  	_ =	shalt  }
0x54: {  	_ =	shalt  }
0x55: {  	_ =	shalt  }
0x56: {  	_ =	shalt  }
0x57: {  	_ =	shalt  }
0x58: {  	_ =	shalt  }
0x59: {  	_ =	shalt  }
0x5a: {  	_ =	shalt  }
0x5b: {  	_ =	shalt  }
0x5c: {  	_ =	shalt  }
0x5d: {  	_ =	shalt  }
0x5e: {  	_ =	shalt  }
0x5f: {  	_ =	shalt  }
0x60: {  	_ =	shalt  }
0x61: {  	_ =	shalt  }
0x62: {  	_ =	shalt  }
0x63: {  	_ =	shalt  }
0x64: {  	_ =	shalt  }
0x65: {  	_ =	shalt  }
0x66: {  	_ =	shalt  }
0x67: {  	_ =	shalt  }
0x68: {  	_ =	shalt  }
0x69: {  	_ =	shalt  }
0x6a: {  	_ =	shalt  }
0x6b: {  	_ =	shalt  }
0x6c: {  	_ =	shalt  }
0x6d: {  	_ =	shalt  }
0x6e: {  	_ =	shalt  }
0x6f: {  	_ =	shalt  }
0x70: {  	_ =	shalt  }
0x71: {  	_ =	shalt  }
0x72: {  	_ =	shalt  }
0x73: {  	_ =	shalt  }
0x74: {  	_ =	shalt  }
0x75: {  	_ =	shalt  }
0x76: {  	_ =	shalt  }
0x77: {  	_ =	shalt  }
0x78: {  	_ =	shalt  }
0x79: {  	_ =	shalt  }
0x7a: {  	_ =	shalt  }
0x7b: {  	_ =	shalt  }
0x7c: {  	_ =	shalt  }
0x7d: {  	_ =	shalt  }
0x7e: {  	_ =	shalt  }
0x7f: {  	_ =	shalt  }
0x80: {  	_ =	shalt  }
0x81: {  	_ =	shalt  }
0x82: {  	_ =	shalt  }
0x83: {  	_ =	shalt  }
0x84: {  	_ =	shalt  }
0x85: {  	_ =	shalt  }
0x86: {  	_ =	shalt  }
0x87: {  	_ =	shalt  }
.Lfunc_end0:
.L_simem_size_0:
called_computation_lowered:
.L_overlay_start_0:
0x88: {  	s2 =	sld [smem:$0x3FD9]  }
0x89: {  	s3 =	sld [smem:$0x3FFE];
	_ =	sdelay $0x1  }
0x8a: {  	s1 =	srdreg.scid  }
0x8b: {  	s0 =	sand.u32 $0x1, s1  }
0x8c: {  	s14 =	sshll.u32 s0, $0xA;
	s2 =	sadd.s32 s3, s2  }
0x8d: {  	s2 =	sadd.s32 s2, s14  }
0x8e: {  	[smem:$0x3FBD] =	sst s2  }
0x8f: {  	_ = 	snop  }
0x90: {  	s2 =	sld [smem:$0x3FD0];
	_ =	sdelay $0x2  }
0x91: {  	s15 =	simm.s32 $0xA;
	s4 =	simm.s32 $0x10  }
0x92: {  	[smem:s4], [sflag:s15] =	dma.local [hbm:s2], $0x1  }
0x93: {  	_ =	swait.eq [sflag:s15], $0x1  }
0x94: {  	[sflag:s15] =	ssyncset.done $0x0  }
0x95: {  	s16 =	sld [smem:$0x10];
	[sflag:s15] =	ssyncadd.s32 $0xFFFFFFFF  }
0x96: {  	s17 =	sld [smem:$0x11];
	(tm) =	ssettm $0x1  }
0x97: {  	s18 =	sld [smem:$0x3FFB];
	_ =	sdelay $0x3  }
0x98: {  	_ =	strace s18  }
0x99: {  	s4 =	sld [smem:$0x3FFC];
	_ =	sdelay $0x3  }
0x9a: {  	_ =	strace s4  }
0x9b: {  	s4 =	sld [smem:$0x3FFD];
	_ =	sdelay $0x3  }
0x9c: {  	_ =	strace s4  }
0x9d: {  	_ =	strace $0x8FFFFFFF  }
0x9e: {  	s19 =	sld [smem:$0x3FDB];
	_ =	sdelay $0x1  }
0x9f: {  	s5 =	simm.s32 $_scs_section_size  }
0xa0: {  	s6 =	simm.s32 $_size__tile_overlayer_lowered;
	s7 =	simm.s32 $_tile_overlayer_lowered  }
0xa1: {  	s22 =	simm.s32 $0x1BFF;
	s21 =	sshll.u32 s7, $0x1;
	s4 =	sadd.s32 s5, s19  }
0xa2: {  	s8 =	simm.s32 $0x0;
	s20 =	sshll.u32 s6, $0x1;
	s6 =	sadd.s32 s21, s4  }
0xa3: {  	[timem:s8], [sflag:s22] =	dma.local [hbm:s6], s20  }
0xa4: {  	_ =	swait.ge [sflag:s22], s20  }
0xa5: {  	s5 =	ssub.s32 $0x0, s20;
	[sflag:s22] =	ssyncset.done $0x0  }
0xa6: {  	[sflag:s22] =	ssyncadd.s32 s5;
	_ =	sdelay $0x1  }
0xa7: {  	s23 =	simm.s32 $0x1B8B  }
0xa8: {  	_ =	swait.ge [sflag:s23], $0x1  }
0xa9: {  	[sflag:s23] =	ssyncset.done $0x0  }
0xaa: {  	s25 =	simm.s32 $0x1B8E;
	s24 =	sld [smem:$0x3FFE];
	[sflag:s23] =	ssyncadd.s32 $0xFFFFFFFF  }
0xab: {  	s26 =	simm.s32 $execute0_lowered;
	[smem:$0x3FD2] =	sst s25  }
0xac: {  	s6 =	sshll.u32 s26, $0x1;
	_ =	strace $0x80000046;
	[dreg:$0x1] =	wrdreg $0xFFFFFFFF  }
0xad: {  	s28 =	simm.s32 $_size_execute0_lowered;
	s4 =	sadd.s32 s4, s6;
	[dreg:$0x0] =	wrdreg $0x0  }
0xae: {  	s6 =	sshll.u32 s28, $0x1;
	[dreg:$0x2] =	wrdreg s4  }
0xaf: {  	[dreg:$0x3] =	wrdreg s6  }
0xb0: {  	[dreg:$0x4] =	wrdreg $0xC0  }
0xb1: {  	_ =	task [dreg:s8], $0x5FFFF  }
0xb2: {  	[dreg:$0x1] =	wrdreg $0xFFFFFFFF  }
0xb3: {  	[dreg:$0x0] =	wrdreg $0x60  }
0xb4: {  	[dreg:$0x2] =	wrdreg s17  }
0xb5: {  	[dreg:$0x3] =	wrdreg s16  }
0xb6: {  	[dreg:$0x4] =	wrdreg s24  }
0xb7: {  	[dreg:$0x5] =	wrdreg $0x0  }
0xb8: {  	[dreg:$0x6] =	wrdreg $0x9  }
0xb9: {  	_ =	task.clear_ibuf [dreg:s8], $0x7FFFF;
	_ =	strace $0x90000046  }
0xba: {  	s29 =	simm.s32 $0x9;
	_ =	strace $0x80000048  }
0xbb: {  	_ =	swait.ge [sflag:s29], $0x1  }
0xbc: {  	[sflag:s29] =	ssyncadd.s32 $0xFFFFFFFF  }
0xbd: {  	_ =	strace $0x90000048  }
0xbe: {  	_ =	sfence  }
0xbf: {  	s30 =	sld [smem:$0x0];
	_ =	sdelay $0x2  }
0xc0: {  	s31 =	sshll.u32 s1, $0xD;
	s1 =	sshrl.u32 s1, $0x2  }
0xc1: {  	s3 =	sand.u32 $0x4000, s31;
	s1 =	sadd.s32 s1, s30  }
0xc2: {  	s0 =	sor.u32 s3, s0;
	s1 =	sshll.u32 s1, $0x11  }
0xc3: {  	s0 =	sor.u32 s1, s0  }
0xc4: {  	s0 =	sadd.s32 $0x8F2B, s0  }
0xc5: {  	[sflag:s0] =	ssyncadd.remote.s32 $0x1  }
0xc6: {  	_ =	sfence.sel $0xFFFF  }
0xc7: {  	[dreg:$0x0] =	wrdreg $0xFFFFFFFF;
	(pc) =	sbr.abs _section_cstart, $3  }
0xc8: {  	[dreg:$0x1] =	wrdreg $0xFFFFFFFF  }
0xc9: {  	_ =	task.clear_ibuf [dreg:s8], $0x2FFFF;
	_ =	strace $0x9FFFFFFF  }
0xca: {  	(tm) =	ssettm $0x7FFFFFFF  }
0xcb: {  	_ =	shalt  }
tec
execute0_lowered:
.L_overlay_start_1:
0x0: {  	(tag) =	ssettag $0x1  }
0x1: {  	s12 =	stileid.u32  }
0x2: {  	s0 =	srdreg.scid;
	s2 =	smul.u32 $0x2710, s12  }
0x3: {  	s1 =	rddreg [dreg:$0x0];
	s8 =	smul.u32 $0x4E2, s12  }
0x4: {  	s3 =	rddreg [dreg:$0x1];
	s10 =	smul.u32 $0x1400, s12  }
0x5: {  	s7 =	rddreg [dreg:$0x2];
	s11 =	smul.u32 $0x2800, s12  }
0x6: {  	s4 =	rddreg [dreg:$0x3];
	s5 =	simm.s32 $0x0;
	s17 =	smul.u32 $0x280, s12  }
0x7: {  	s28 =	simm.s32 $0x1F400;
	s0 =	sand.u32 $0x1, s0;
	s19 =	smul.u32 $0x50000, s12  }
0x8: {  	s29 =	simm.s32 $0x1F500;
	s30 =	simm.s32 $0xC8;
	s6 =	smul.u32 $0x27100, s0  }
0x9: {  	s31 =	simm.s32 $0x14000;
	[smem:$0x7FF] =	sst s5;
	s9 =	smul.u32 $0x14000, s0  }
0xa: {  	s20 =	sadd.s32 $0x3CE00, s7;
	_ =	strace $0x80000047;
	s18 =	smul.u32 $0x2800, s0  }
0xb: {  	s0 =	ssub.s32 $0x2, s0;
	[dreg:$0x5] =	wrdreg s20;
	s8 =	sadd.s32 s8, s7  }
0xc: {  	s11 =	sadd.s32 s11, s7;
	s21 =	sshrl.u32 s0, $0x1;
	s2 =	sadd.s32 s6, s2  }
0xd: {  	s9 =	sadd.s32 s10, s9;
	s6 =	sadd.s32 s17, s18;
	s0 =	ssub.s32 s0, s21  }
0xe: {  	s10 =	sshrl.u32 s19, $0x2;
	s17 =	sadd.s32 $0x1400, s8;
	s20 =	sadd.s32 $0x15200, s8  }
0xf: {  	s2 =	sshrl.u32 s2, $0x3;
	s9 =	sshrl.u32 s9, $0x3;
	s6 =	sshll.u32 s6, $0x4  }
0x10: {  	s10 =	sadd.s32 s10, s4;
	s0 =	smax.u32 s0, $0x1;
	s2 =	sadd.s32 s2, s7  }
0x11: {  	s9 =	sadd.s32 s9, s7;
	s6 =	sadd.s32 s6, s7;
	[dreg:$0x9] =	wrdreg s10  }
0x12: {  	s7 =	sadd.s32 $0x3D800, s11;
	[dreg:$0xd] =	wrdreg s0;
	s22 =	sadd.s32 $0x65800, s6  }
0x13: {  	s0 =	simm.s32 $0x1F600;
	s23 =	sadd.s32 $0xB5800, s6;
	[dreg:$0x6] =	wrdreg s22  }
0x14: {  	s24 =	sadd.s32 $0x105800, s6;
	s25 =	sadd.s32 $0x1A5800, s6;
	[dreg:$0x7] =	wrdreg s23  }
0x15: {  	s26 =	sadd.s32 $0x155800, s6;
	s6 =	sadd.s32 $0x1F5800, s6;
	[dreg:$0x8] =	wrdreg s24  }
0x16: {  	s16 =	sadd.s32 $0x6400, s2;
	s18 =	sadd.s32 $0x37E00, s9;
	[dreg:$0xa] =	wrdreg s25  }
0x17: {  	s19 =	sadd.s32 $0x24000, s2;
	s21 =	sadd.s32 $0x32E00, s9;
	[dreg:$0xb] =	wrdreg s26  }
0x18: {  	[dreg:$0xc] =	wrdreg s6;
	s22 =	sadd.s32 $0x1A200, s2;
	s23 =	sadd.s32 $0x10200, s8  }
0x19: {  	s24 =	sadd.s32 $0x2DE00, s9;
	s25 =	simm.s32 $0x1A400;
	s26 =	simm.s32 $0x2  }
0x1a: {  	s2 =	simm.s32 $0x1;
	s6 =	simm.s32 $0xA0;
	s8 =	simm.s32 $0x0  }
.LBB2_1:
0x1b: {  	s9 =	rddreg [dreg:$0x5]  }
0x1c: {  	[tilespmem:s25], [sflag:$0x2] =	stream.linear.gather [hbm4b:s9+s5], $0x5000, $0x38;
	[tilespmem:$0x1F700] =	vst v63  }
0x1d: {  	s14 =	stileid.u32;
	_ =	swait.ge [sflag:s26], $0x5000  }
0x1e: {  	s9 =	sshll.u32 s14, $0x6;
	[sflag:s26] =	ssyncset.done $0x0;
	s10 =	rddreg [dreg:$0x9]  }
0x1f: {  	s9 =	sor.u32 $0x1C02, s9;
	[sflag:s26] =	ssyncadd.s32 $0xFFFFB000;
	s10 =	sshrl.u32 s10, $0x3  }
0x20: {  	[spmem:s10], [sflag:s9] =	dma.local [hbm:s7], $0x2800  }
0x21: {  	_ =	swait.ge [sflag:s26], $0x2800  }
0x22: {  	[sflag:s26] =	ssyncset.done $0x0  }
0x23: {  	[sflag:s26] =	ssyncadd.s32 $0xFFFFD800  }
0x24: {  	s11 =	sadd.s32 $0x0, s16;
	[bflag:$0x0] =	sbarrier.arrive $0xFFFF  }
0x25: {  	[tilespmem:s28], [sflag:$0x2] =	stream.linear.gather [hbm4b:s11+s5], $0xC8, $0x38;
	[tilespmem:$0x1F700] =	vst v63  }
0x26: {  	_ =	swait.ge [sflag:s26], $0xC8  }
0x27: {  	[sflag:s26] =	ssyncset.done $0x0  }
0x28: {  	s15 =	sadd.s32 $0x0, s17;
	[sflag:s26] =	ssyncadd.s32 $0xFFFFFF38  }
0x29: {  	[tilespmem:s29], [sflag:$0x2] =	stream.linear.gather [hbm4b:s15+s5], $0xC8, $0x38;
	[tilespmem:$0x1F700] =	vst v63  }
0x2a: {  	_ =	swait.ge [sflag:s26], $0xC8  }
0x2b: {  	[sflag:s26] =	ssyncset.done $0x0  }
0x2c: {  	[sflag:s26] =	ssyncadd.s32 $0xFFFFFF38  }
0x2d: {  	[tilespmem:s31], [sflag:$0x1] =	stream.indirect.gather [hbm4b:s1+s30], $0x80, s28, s30, $0xb8;
	[tilespmem:$0x1F700] =	vst v63  }
0x2e: {  	_ =	swait.ge [sflag:s2], $0x6400  }
0x2f: {  	[sflag:s2] =	ssyncset.done $0x0  }
0x30: {  	[sflag:s2] =	ssyncadd.s32 $0xFFFF9C00  }
0x31: {  	[spmem:s4] =	stream.indirect.scatter.add.f32 [tilespmem:s31], [sflag:$0x2], $0x80, s29, s30, $0xb8;
	[tilespmem:$0x1F700] =	vst v63  }
0x32: {  	_ =	swait.ge [sflag:s26], $0x6400  }
0x33: {  	s12 =	simm.s32 $0x32;
	s11 =	simm.s32 $0x19;
	[sflag:s26] =	ssyncset.done $0x0  }
.LBB2_2:
0x34: {  	s13 =	sadd.s32 s11, s16  }
0x35: {  	[sflag:s26] =	ssyncadd.s32 $0xFFFF9C00;
	s14 =	smov.u32 s12;
	s15 =	sadd.s32 $0x19, s12  }
0x36: {  	[tilespmem:s28], [sflag:$0x2] =	stream.linear.gather [hbm4b:s13+s5], $0xC8, $0x38;
	[tilespmem:$0x1F700] =	vst v63  }
0x37: {  	p0 =	sne.s32 s12, $0x4C9;
	_ =	swait.ge [sflag:s26], $0xC8  }
0x38: {  	[sflag:s26] =	ssyncset.done $0x0  }
0x39: {  	s12 =	sadd.s32 s11, s17;
	s11 =	smov.u32 s14;
	[sflag:s26] =	ssyncadd.s32 $0xFFFFFF38  }
0x3a: {  	[tilespmem:s29], [sflag:$0x2] =	stream.linear.gather [hbm4b:s12+s5], $0xC8, $0x38;
	[tilespmem:$0x1F700] =	vst v63  }
0x3b: {  	_ =	swait.ge [sflag:s26], $0xC8  }
0x3c: {  	[sflag:s26] =	ssyncset.done $0x0  }
0x3d: {  	[sflag:s26] =	ssyncadd.s32 $0xFFFFFF38  }
0x3e: {  	[tilespmem:s31], [sflag:$0x1] =	stream.indirect.gather [hbm4b:s1+s30], $0x80, s28, s30, $0xb8;
	[tilespmem:$0x1F700] =	vst v63  }
0x3f: {  	_ =	swait.ge [sflag:s2], $0x6400  }
.Ltmp0:
0x40: {  	[sflag:s2] =	ssyncset.done $0x0;
	(pc) =	sbr.rel @p0 .LBB2_2-.Ltmp0, $4  }
0x41: {  	[sflag:s2] =	ssyncadd.s32 $0xFFFF9C00  }
0x42: {  	[spmem:s4] =	stream.indirect.scatter.add.f32 [tilespmem:s31], [sflag:$0x2], $0x80, s29, s30, $0xb8;
	[tilespmem:$0x1F700] =	vst v63  }
0x43: {  	_ =	swait.ge [sflag:s26], $0x6400  }
0x44: {  	s12 =	smov.u32 s15;
	[sflag:s26] =	ssyncset.done $0x0  }
0x45: {  	s12 =	sadd.s32 s11, s16;
	[sflag:s26] =	ssyncadd.s32 $0xFFFF9C00  }
0x46: {  	[tilespmem:s28], [sflag:$0x2] =	stream.linear.gather [hbm4b:s12+s5], $0xC8, $0x38;
	[tilespmem:$0x1F700] =	vst v63  }
0x47: {  	_ =	swait.ge [sflag:s26], $0xC8  }
0x48: {  	[sflag:s26] =	ssyncset.done $0x0  }
0x49: {  	s13 =	sadd.s32 s11, s17;
	[sflag:s26] =	ssyncadd.s32 $0xFFFFFF38  }
0x4a: {  	[tilespmem:s29], [sflag:$0x2] =	stream.linear.gather [hbm4b:s13+s5], $0xC8, $0x38;
	[tilespmem:$0x1F700] =	vst v63  }
0x4b: {  	_ =	swait.ge [sflag:s26], $0xC8  }
0x4c: {  	[sflag:s26] =	ssyncset.done $0x0  }
0x4d: {  	[sflag:s26] =	ssyncadd.s32 $0xFFFFFF38  }
0x4e: {  	[tilespmem:s31], [sflag:$0x1] =	stream.indirect.gather [hbm4b:s1+s30], $0x80, s28, s30, $0xb8;
	[tilespmem:$0x1F700] =	vst v63  }
0x4f: {  	_ =	swait.ge [sflag:s2], $0x6400  }
0x50: {  	[sflag:s2] =	ssyncset.done $0x0  }
0x51: {  	[sflag:s2] =	ssyncadd.s32 $0xFFFF9C00  }
0x52: {  	[spmem:s4] =	stream.indirect.scatter.add.f32 [tilespmem:s31], [sflag:$0x2], $0x80, s29, s30, $0xb8;
	[tilespmem:$0x1F700] =	vst v63  }
0x53: {  	_ =	swait.ge [sflag:s26], $0x6400  }
0x54: {  	[sflag:s26] =	ssyncset.done $0x0  }
0x55: {  	[sflag:s26] =	ssyncadd.s32 $0xFFFF9C00  }
0x56: {  	[bflag:$0x0] =	sbarrier.arrive $0xFFFF  }
0x57: {  	s14 =	rddreg [dreg:$0x6]  }
0x58: {  	[hbm:s14], [sflag:s9] =	dma.local [spmem:s10], $0x2800  }
0x59: {  	_ =	swait.ge [sflag:s26], $0x2800  }
0x5a: {  	[sflag:s26] =	ssyncset.done $0x0  }
0x5b: {  	[sflag:s26] =	ssyncadd.s32 $0xFFFFD800  }
0x5c: {  	[spmem:s10], [sflag:s9] =	dma.local [hbm:s7], $0x2800  }
0x5d: {  	_ =	swait.ge [sflag:s26], $0x2800  }
0x5e: {  	[sflag:s26] =	ssyncset.done $0x0  }
0x5f: {  	[sflag:s26] =	ssyncadd.s32 $0xFFFFD800  }
0x60: {  	s15 =	sadd.s32 $0x0, s18;
	[bflag:$0x0] =	sbarrier.arrive $0xFFFF  }
0x61: {  	[tilespmem:s0], [sflag:$0x2] =	stream.linear.gather [hbm4b:s15+s5], $0xA0, $0x38;
	[tilespmem:$0x1F700] =	vst v63  }
0x62: {  	_ =	swait.ge [sflag:s26], $0xA0  }
0x63: {  	[sflag:s26] =	ssyncset.done $0x0  }
0x64: {  	[sflag:s26] =	ssyncadd.s32 $0xFFFFFF60  }
0x65: {  	[spmem:s4] =	stream.indirect.scatter.add.f32 [tilespmem:s25], [sflag:$0x2], $0x80, s0, s6, $0xb8;
	[tilespmem:$0x1F700] =	vst v63  }
0x66: {  	_ =	swait.ge [sflag:s26], $0x5000  }
0x67: {  	s11 =	simm.s32 $0x14;
	s12 =	simm.s32 $0x28;
	[sflag:s26] =	ssyncset.done $0x0  }
.LBB2_4:
0x68: {  	s13 =	sadd.s32 s11, s18  }
0x69: {  	[sflag:s26] =	ssyncadd.s32 $0xFFFFB000;
	s11 =	smov.u32 s12;
	s14 =	sadd.s32 $0x14, s12  }
0x6a: {  	[tilespmem:s0], [sflag:$0x2] =	stream.linear.gather [hbm4b:s13+s5], $0xA0, $0x38;
	[tilespmem:$0x1F700] =	vst v63  }
0x6b: {  	p0 =	sne.s32 s12, $0x26C;
	_ =	swait.ge [sflag:s26], $0xA0  }
.Ltmp1:
0x6c: {  	[sflag:s26] =	ssyncset.done $0x0;
	(pc) =	sbr.rel @p0 .LBB2_4-.Ltmp1, $4  }
0x6d: {  	[sflag:s26] =	ssyncadd.s32 $0xFFFFFF60  }
0x6e: {  	[spmem:s4] =	stream.indirect.scatter.add.f32 [tilespmem:s25], [sflag:$0x2], $0x80, s0, s6, $0xb8;
	[tilespmem:$0x1F700] =	vst v63  }
0x6f: {  	_ =	swait.ge [sflag:s26], $0x5000  }
0x70: {  	s12 =	smov.u32 s14;
	[sflag:s26] =	ssyncset.done $0x0  }
0x71: {  	s11 =	sadd.s32 s11, s18;
	[sflag:s26] =	ssyncadd.s32 $0xFFFFB000  }
0x72: {  	[tilespmem:s0], [sflag:$0x2] =	stream.linear.gather [hbm4b:s11+s5], $0xA0, $0x38;
	[tilespmem:$0x1F700] =	vst v63  }
0x73: {  	_ =	swait.ge [sflag:s26], $0xA0  }
0x74: {  	[sflag:s26] =	ssyncset.done $0x0  }
0x75: {  	[sflag:s26] =	ssyncadd.s32 $0xFFFFFF60  }
0x76: {  	[spmem:s4] =	stream.indirect.scatter.add.f32 [tilespmem:s25], [sflag:$0x2], $0x80, s0, s6, $0xb8;
	[tilespmem:$0x1F700] =	vst v63  }
0x77: {  	_ =	swait.ge [sflag:s26], $0x5000  }
0x78: {  	[sflag:s26] =	ssyncset.done $0x0  }
0x79: {  	[sflag:s26] =	ssyncadd.s32 $0xFFFFB000  }
0x7a: {  	[bflag:$0x0] =	sbarrier.arrive $0xFFFF  }
0x7b: {  	s13 =	rddreg [dreg:$0x7]  }
0x7c: {  	[hbm:s13], [sflag:s9] =	dma.local [spmem:s10], $0x2800  }
0x7d: {  	_ =	swait.ge [sflag:s26], $0x2800  }
0x7e: {  	[sflag:s26] =	ssyncset.done $0x0  }
0x7f: {  	[sflag:s26] =	ssyncadd.s32 $0xFFFFD800  }
0x80: {  	[spmem:s10], [sflag:s9] =	dma.local [hbm:s7], $0x2800  }
0x81: {  	_ =	swait.ge [sflag:s26], $0x2800  }
0x82: {  	[sflag:s26] =	ssyncset.done $0x0  }
0x83: {  	[sflag:s26] =	ssyncadd.s32 $0xFFFFD800  }
0x84: {  	s14 =	sadd.s32 $0x0, s19;
	[bflag:$0x0] =	sbarrier.arrive $0xFFFF  }
0x85: {  	[tilespmem:s28], [sflag:$0x2] =	stream.linear.gather [hbm4b:s14+s5], $0xC8, $0x38;
	[tilespmem:$0x1F700] =	vst v63  }
0x86: {  	_ =	swait.ge [sflag:s26], $0xC8  }
0x87: {  	[sflag:s26] =	ssyncset.done $0x0  }
0x88: {  	s15 =	sadd.s32 $0x0, s20;
	[sflag:s26] =	ssyncadd.s32 $0xFFFFFF38  }
0x89: {  	[tilespmem:s29], [sflag:$0x2] =	stream.linear.gather [hbm4b:s15+s5], $0xC8, $0x38;
	[tilespmem:$0x1F700] =	vst v63  }
0x8a: {  	_ =	swait.ge [sflag:s26], $0xC8  }
0x8b: {  	[sflag:s26] =	ssyncset.done $0x0  }
0x8c: {  	[sflag:s26] =	ssyncadd.s32 $0xFFFFFF38  }
0x8d: {  	[tilespmem:s31], [sflag:$0x1] =	stream.indirect.gather [hbm4b:s1+s30], $0x80, s28, s30, $0xb8;
	[tilespmem:$0x1F700] =	vst v63  }
0x8e: {  	_ =	swait.ge [sflag:s2], $0x6400  }
0x8f: {  	[sflag:s2] =	ssyncset.done $0x0  }
0x90: {  	[sflag:s2] =	ssyncadd.s32 $0xFFFF9C00  }
0x91: {  	[spmem:s4] =	stream.indirect.scatter.add.f32 [tilespmem:s31], [sflag:$0x2], $0x80, s29, s30, $0xb8;
	[tilespmem:$0x1F700] =	vst v63  }
0x92: {  	_ =	swait.ge [sflag:s26], $0x6400  }
0x93: {  	s12 =	simm.s32 $0x32;
	s11 =	simm.s32 $0x19;
	[sflag:s26] =	ssyncset.done $0x0  }
.LBB2_6:
0x94: {  	s13 =	sadd.s32 s11, s19  }
0x95: {  	[sflag:s26] =	ssyncadd.s32 $0xFFFF9C00;
	s14 =	smov.u32 s12;
	s15 =	sadd.s32 $0x19, s12  }
0x96: {  	[tilespmem:s28], [sflag:$0x2] =	stream.linear.gather [hbm4b:s13+s5], $0xC8, $0x38;
	[tilespmem:$0x1F700] =	vst v63  }
0x97: {  	p0 =	sne.s32 s12, $0x4C9;
	_ =	swait.ge [sflag:s26], $0xC8  }
0x98: {  	[sflag:s26] =	ssyncset.done $0x0  }
0x99: {  	s12 =	sadd.s32 s11, s20;
	s11 =	smov.u32 s14;
	[sflag:s26] =	ssyncadd.s32 $0xFFFFFF38  }
0x9a: {  	[tilespmem:s29], [sflag:$0x2] =	stream.linear.gather [hbm4b:s12+s5], $0xC8, $0x38;
	[tilespmem:$0x1F700] =	vst v63  }
0x9b: {  	_ =	swait.ge [sflag:s26], $0xC8  }
0x9c: {  	[sflag:s26] =	ssyncset.done $0x0  }
0x9d: {  	[sflag:s26] =	ssyncadd.s32 $0xFFFFFF38  }
0x9e: {  	[tilespmem:s31], [sflag:$0x1] =	stream.indirect.gather [hbm4b:s1+s30], $0x80, s28, s30, $0xb8;
	[tilespmem:$0x1F700] =	vst v63  }
0x9f: {  	_ =	swait.ge [sflag:s2], $0x6400  }
.Ltmp2:
0xa0: {  	[sflag:s2] =	ssyncset.done $0x0;
	(pc) =	sbr.rel @p0 .LBB2_6-.Ltmp2, $4  }
0xa1: {  	[sflag:s2] =	ssyncadd.s32 $0xFFFF9C00  }
0xa2: {  	[spmem:s4] =	stream.indirect.scatter.add.f32 [tilespmem:s31], [sflag:$0x2], $0x80, s29, s30, $0xb8;
	[tilespmem:$0x1F700] =	vst v63  }
0xa3: {  	_ =	swait.ge [sflag:s26], $0x6400  }
0xa4: {  	s12 =	smov.u32 s15;
	[sflag:s26] =	ssyncset.done $0x0  }
0xa5: {  	s12 =	sadd.s32 s11, s19;
	[sflag:s26] =	ssyncadd.s32 $0xFFFF9C00  }
0xa6: {  	[tilespmem:s28], [sflag:$0x2] =	stream.linear.gather [hbm4b:s12+s5], $0xC8, $0x38;
	[tilespmem:$0x1F700] =	vst v63  }
0xa7: {  	_ =	swait.ge [sflag:s26], $0xC8  }
0xa8: {  	[sflag:s26] =	ssyncset.done $0x0  }
0xa9: {  	s13 =	sadd.s32 s11, s20;
	[sflag:s26] =	ssyncadd.s32 $0xFFFFFF38  }
0xaa: {  	[tilespmem:s29], [sflag:$0x2] =	stream.linear.gather [hbm4b:s13+s5], $0xC8, $0x38;
	[tilespmem:$0x1F700] =	vst v63  }
0xab: {  	_ =	swait.ge [sflag:s26], $0xC8  }
0xac: {  	[sflag:s26] =	ssyncset.done $0x0  }
0xad: {  	[sflag:s26] =	ssyncadd.s32 $0xFFFFFF38  }
0xae: {  	[tilespmem:s31], [sflag:$0x1] =	stream.indirect.gather [hbm4b:s1+s30], $0x80, s28, s30, $0xb8;
	[tilespmem:$0x1F700] =	vst v63  }
0xaf: {  	_ =	swait.ge [sflag:s2], $0x6400  }
0xb0: {  	[sflag:s2] =	ssyncset.done $0x0  }
0xb1: {  	[sflag:s2] =	ssyncadd.s32 $0xFFFF9C00  }
0xb2: {  	[spmem:s4] =	stream.indirect.scatter.add.f32 [tilespmem:s31], [sflag:$0x2], $0x80, s29, s30, $0xb8;
	[tilespmem:$0x1F700] =	vst v63  }
0xb3: {  	_ =	swait.ge [sflag:s26], $0x6400  }
0xb4: {  	[sflag:s26] =	ssyncset.done $0x0  }
0xb5: {  	[sflag:s26] =	ssyncadd.s32 $0xFFFF9C00  }
0xb6: {  	[bflag:$0x0] =	sbarrier.arrive $0xFFFF  }
0xb7: {  	s14 =	rddreg [dreg:$0x8]  }
0xb8: {  	[hbm:s14], [sflag:s9] =	dma.local [spmem:s10], $0x2800  }
0xb9: {  	_ =	swait.ge [sflag:s26], $0x2800  }
0xba: {  	[sflag:s26] =	ssyncset.done $0x0  }
0xbb: {  	[sflag:s26] =	ssyncadd.s32 $0xFFFFD800  }
0xbc: {  	[spmem:s10], [sflag:s9] =	dma.local [hbm:s7], $0x2800  }
0xbd: {  	_ =	swait.ge [sflag:s26], $0x2800  }
0xbe: {  	[sflag:s26] =	ssyncset.done $0x0  }
0xbf: {  	[sflag:s26] =	ssyncadd.s32 $0xFFFFD800  }
0xc0: {  	s15 =	sadd.s32 $0x0, s21;
	[bflag:$0x0] =	sbarrier.arrive $0xFFFF  }
0xc1: {  	[tilespmem:s0], [sflag:$0x2] =	stream.linear.gather [hbm4b:s15+s5], $0xA0, $0x38;
	[tilespmem:$0x1F700] =	vst v63  }
0xc2: {  	_ =	swait.ge [sflag:s26], $0xA0  }
0xc3: {  	[sflag:s26] =	ssyncset.done $0x0  }
0xc4: {  	[sflag:s26] =	ssyncadd.s32 $0xFFFFFF60  }
0xc5: {  	[spmem:s4] =	stream.indirect.scatter.add.f32 [tilespmem:s25], [sflag:$0x2], $0x80, s0, s6, $0xb8;
	[tilespmem:$0x1F700] =	vst v63  }
0xc6: {  	_ =	swait.ge [sflag:s26], $0x5000  }
0xc7: {  	s11 =	simm.s32 $0x14;
	s12 =	simm.s32 $0x28;
	[sflag:s26] =	ssyncset.done $0x0  }
.LBB2_8:
0xc8: {  	s13 =	sadd.s32 s11, s21  }
0xc9: {  	[sflag:s26] =	ssyncadd.s32 $0xFFFFB000;
	s11 =	smov.u32 s12;
	s14 =	sadd.s32 $0x14, s12  }
0xca: {  	[tilespmem:s0], [sflag:$0x2] =	stream.linear.gather [hbm4b:s13+s5], $0xA0, $0x38;
	[tilespmem:$0x1F700] =	vst v63  }
0xcb: {  	p0 =	sne.s32 s12, $0x26C;
	_ =	swait.ge [sflag:s26], $0xA0  }
.Ltmp3:
0xcc: {  	[sflag:s26] =	ssyncset.done $0x0;
	(pc) =	sbr.rel @p0 .LBB2_8-.Ltmp3, $4  }
0xcd: {  	[sflag:s26] =	ssyncadd.s32 $0xFFFFFF60  }
0xce: {  	[spmem:s4] =	stream.indirect.scatter.add.f32 [tilespmem:s25], [sflag:$0x2], $0x80, s0, s6, $0xb8;
	[tilespmem:$0x1F700] =	vst v63  }
0xcf: {  	_ =	swait.ge [sflag:s26], $0x5000  }
0xd0: {  	s12 =	smov.u32 s14;
	[sflag:s26] =	ssyncset.done $0x0  }
0xd1: {  	s11 =	sadd.s32 s11, s21;
	[sflag:s26] =	ssyncadd.s32 $0xFFFFB000  }
0xd2: {  	[tilespmem:s0], [sflag:$0x2] =	stream.linear.gather [hbm4b:s11+s5], $0xA0, $0x38;
	[tilespmem:$0x1F700] =	vst v63  }
0xd3: {  	_ =	swait.ge [sflag:s26], $0xA0  }
0xd4: {  	[sflag:s26] =	ssyncset.done $0x0  }
0xd5: {  	[sflag:s26] =	ssyncadd.s32 $0xFFFFFF60  }
0xd6: {  	[spmem:s4] =	stream.indirect.scatter.add.f32 [tilespmem:s25], [sflag:$0x2], $0x80, s0, s6, $0xb8;
	[tilespmem:$0x1F700] =	vst v63  }
0xd7: {  	_ =	swait.ge [sflag:s26], $0x5000  }
0xd8: {  	[sflag:s26] =	ssyncset.done $0x0  }
0xd9: {  	[sflag:s26] =	ssyncadd.s32 $0xFFFFB000  }
0xda: {  	[bflag:$0x0] =	sbarrier.arrive $0xFFFF  }
0xdb: {  	s13 =	rddreg [dreg:$0xa]  }
0xdc: {  	[hbm:s13], [sflag:s9] =	dma.local [spmem:s10], $0x2800  }
0xdd: {  	_ =	swait.ge [sflag:s26], $0x2800  }
0xde: {  	[sflag:s26] =	ssyncset.done $0x0  }
0xdf: {  	[sflag:s26] =	ssyncadd.s32 $0xFFFFD800  }
0xe0: {  	[spmem:s10], [sflag:s9] =	dma.local [hbm:s7], $0x2800  }
0xe1: {  	_ =	swait.ge [sflag:s26], $0x2800  }
0xe2: {  	[sflag:s26] =	ssyncset.done $0x0  }
0xe3: {  	[sflag:s26] =	ssyncadd.s32 $0xFFFFD800  }
0xe4: {  	s14 =	sadd.s32 $0x0, s22;
	[bflag:$0x0] =	sbarrier.arrive $0xFFFF  }
0xe5: {  	[tilespmem:s28], [sflag:$0x2] =	stream.linear.gather [hbm4b:s14+s5], $0xC8, $0x38;
	[tilespmem:$0x1F700] =	vst v63  }
0xe6: {  	_ =	swait.ge [sflag:s26], $0xC8  }
0xe7: {  	[sflag:s26] =	ssyncset.done $0x0  }
0xe8: {  	s15 =	sadd.s32 $0x0, s23;
	[sflag:s26] =	ssyncadd.s32 $0xFFFFFF38  }
0xe9: {  	[tilespmem:s29], [sflag:$0x2] =	stream.linear.gather [hbm4b:s15+s5], $0xC8, $0x38;
	[tilespmem:$0x1F700] =	vst v63  }
0xea: {  	_ =	swait.ge [sflag:s26], $0xC8  }
0xeb: {  	[sflag:s26] =	ssyncset.done $0x0  }
0xec: {  	[sflag:s26] =	ssyncadd.s32 $0xFFFFFF38  }
0xed: {  	[tilespmem:s31], [sflag:$0x1] =	stream.indirect.gather [hbm4b:s3+s30], $0x80, s28, s30, $0xb8;
	[tilespmem:$0x1F700] =	vst v63  }
0xee: {  	_ =	swait.ge [sflag:s2], $0x6400  }
0xef: {  	[sflag:s2] =	ssyncset.done $0x0  }
0xf0: {  	[sflag:s2] =	ssyncadd.s32 $0xFFFF9C00  }
0xf1: {  	[spmem:s4] =	stream.indirect.scatter.add.f32 [tilespmem:s31], [sflag:$0x2], $0x80, s29, s30, $0xb8;
	[tilespmem:$0x1F700] =	vst v63  }
0xf2: {  	_ =	swait.ge [sflag:s26], $0x6400  }
0xf3: {  	s12 =	simm.s32 $0x32;
	s11 =	simm.s32 $0x19;
	[sflag:s26] =	ssyncset.done $0x0  }
.LBB2_10:
0xf4: {  	s13 =	sadd.s32 s11, s22  }
0xf5: {  	[sflag:s26] =	ssyncadd.s32 $0xFFFF9C00;
	s14 =	smov.u32 s12;
	s15 =	sadd.s32 $0x19, s12  }
0xf6: {  	[tilespmem:s28], [sflag:$0x2] =	stream.linear.gather [hbm4b:s13+s5], $0xC8, $0x38;
	[tilespmem:$0x1F700] =	vst v63  }
0xf7: {  	p0 =	sne.s32 s12, $0x4C9;
	_ =	swait.ge [sflag:s26], $0xC8  }
0xf8: {  	[sflag:s26] =	ssyncset.done $0x0  }
0xf9: {  	s12 =	sadd.s32 s11, s23;
	s11 =	smov.u32 s14;
	[sflag:s26] =	ssyncadd.s32 $0xFFFFFF38  }
0xfa: {  	[tilespmem:s29], [sflag:$0x2] =	stream.linear.gather [hbm4b:s12+s5], $0xC8, $0x38;
	[tilespmem:$0x1F700] =	vst v63  }
0xfb: {  	_ =	swait.ge [sflag:s26], $0xC8  }
0xfc: {  	[sflag:s26] =	ssyncset.done $0x0  }
0xfd: {  	[sflag:s26] =	ssyncadd.s32 $0xFFFFFF38  }
0xfe: {  	[tilespmem:s31], [sflag:$0x1] =	stream.indirect.gather [hbm4b:s3+s30], $0x80, s28, s30, $0xb8;
	[tilespmem:$0x1F700] =	vst v63  }
0xff: {  	_ =	swait.ge [sflag:s2], $0x6400  }
.Ltmp4:
0x100: {  	[sflag:s2] =	ssyncset.done $0x0;
	(pc) =	sbr.rel @p0 .LBB2_10-.Ltmp4, $4  }
0x101: {  	[sflag:s2] =	ssyncadd.s32 $0xFFFF9C00  }
0x102: {  	[spmem:s4] =	stream.indirect.scatter.add.f32 [tilespmem:s31], [sflag:$0x2], $0x80, s29, s30, $0xb8;
	[tilespmem:$0x1F700] =	vst v63  }
0x103: {  	_ =	swait.ge [sflag:s26], $0x6400  }
0x104: {  	s12 =	smov.u32 s15;
	[sflag:s26] =	ssyncset.done $0x0  }
0x105: {  	s12 =	sadd.s32 s11, s22;
	[sflag:s26] =	ssyncadd.s32 $0xFFFF9C00  }
0x106: {  	[tilespmem:s28], [sflag:$0x2] =	stream.linear.gather [hbm4b:s12+s5], $0xC8, $0x38;
	[tilespmem:$0x1F700] =	vst v63  }
0x107: {  	_ =	swait.ge [sflag:s26], $0xC8  }
0x108: {  	[sflag:s26] =	ssyncset.done $0x0  }
0x109: {  	s13 =	sadd.s32 s11, s23;
	[sflag:s26] =	ssyncadd.s32 $0xFFFFFF38  }
0x10a: {  	[tilespmem:s29], [sflag:$0x2] =	stream.linear.gather [hbm4b:s13+s5], $0xC8, $0x38;
	[tilespmem:$0x1F700] =	vst v63  }
0x10b: {  	_ =	swait.ge [sflag:s26], $0xC8  }
0x10c: {  	[sflag:s26] =	ssyncset.done $0x0  }
0x10d: {  	[sflag:s26] =	ssyncadd.s32 $0xFFFFFF38  }
0x10e: {  	[tilespmem:s31], [sflag:$0x1] =	stream.indirect.gather [hbm4b:s3+s30], $0x80, s28, s30, $0xb8;
	[tilespmem:$0x1F700] =	vst v63  }
0x10f: {  	_ =	swait.ge [sflag:s2], $0x6400  }
0x110: {  	[sflag:s2] =	ssyncset.done $0x0  }
0x111: {  	[sflag:s2] =	ssyncadd.s32 $0xFFFF9C00  }
0x112: {  	[spmem:s4] =	stream.indirect.scatter.add.f32 [tilespmem:s31], [sflag:$0x2], $0x80, s29, s30, $0xb8;
	[tilespmem:$0x1F700] =	vst v63  }
0x113: {  	_ =	swait.ge [sflag:s26], $0x6400  }
0x114: {  	[sflag:s26] =	ssyncset.done $0x0  }
0x115: {  	[sflag:s26] =	ssyncadd.s32 $0xFFFF9C00  }
0x116: {  	[bflag:$0x0] =	sbarrier.arrive $0xFFFF  }
0x117: {  	s14 =	rddreg [dreg:$0xb]  }
0x118: {  	[hbm:s14], [sflag:s9] =	dma.local [spmem:s10], $0x2800  }
0x119: {  	_ =	swait.ge [sflag:s26], $0x2800  }
0x11a: {  	[sflag:s26] =	ssyncset.done $0x0  }
0x11b: {  	[sflag:s26] =	ssyncadd.s32 $0xFFFFD800  }
0x11c: {  	[spmem:s10], [sflag:s9] =	dma.local [hbm:s7], $0x2800  }
0x11d: {  	_ =	swait.ge [sflag:s26], $0x2800  }
0x11e: {  	[sflag:s26] =	ssyncset.done $0x0  }
0x11f: {  	[sflag:s26] =	ssyncadd.s32 $0xFFFFD800  }
0x120: {  	s15 =	sadd.s32 $0x0, s24;
	[bflag:$0x0] =	sbarrier.arrive $0xFFFF  }
0x121: {  	[tilespmem:s0], [sflag:$0x2] =	stream.linear.gather [hbm4b:s15+s5], $0xA0, $0x38;
	[tilespmem:$0x1F700] =	vst v63  }
0x122: {  	_ =	swait.ge [sflag:s26], $0xA0  }
0x123: {  	[sflag:s26] =	ssyncset.done $0x0  }
0x124: {  	[sflag:s26] =	ssyncadd.s32 $0xFFFFFF60  }
0x125: {  	[spmem:s4] =	stream.indirect.scatter.add.f32 [tilespmem:s25], [sflag:$0x2], $0x80, s0, s6, $0xb8;
	[tilespmem:$0x1F700] =	vst v63  }
0x126: {  	_ =	swait.ge [sflag:s26], $0x5000  }
0x127: {  	s11 =	simm.s32 $0x14;
	s12 =	simm.s32 $0x28;
	[sflag:s26] =	ssyncset.done $0x0  }
.LBB2_12:
0x128: {  	s13 =	sadd.s32 s11, s24  }
0x129: {  	[sflag:s26] =	ssyncadd.s32 $0xFFFFB000;
	s11 =	smov.u32 s12;
	s14 =	sadd.s32 $0x14, s12  }
0x12a: {  	[tilespmem:s0], [sflag:$0x2] =	stream.linear.gather [hbm4b:s13+s5], $0xA0, $0x38;
	[tilespmem:$0x1F700] =	vst v63  }
0x12b: {  	p0 =	sne.s32 s12, $0x26C;
	_ =	swait.ge [sflag:s26], $0xA0  }
.Ltmp5:
0x12c: {  	[sflag:s26] =	ssyncset.done $0x0;
	(pc) =	sbr.rel @p0 .LBB2_12-.Ltmp5, $4  }
0x12d: {  	[sflag:s26] =	ssyncadd.s32 $0xFFFFFF60  }
0x12e: {  	[spmem:s4] =	stream.indirect.scatter.add.f32 [tilespmem:s25], [sflag:$0x2], $0x80, s0, s6, $0xb8;
	[tilespmem:$0x1F700] =	vst v63  }
0x12f: {  	_ =	swait.ge [sflag:s26], $0x5000  }
0x130: {  	s12 =	smov.u32 s14;
	[sflag:s26] =	ssyncset.done $0x0  }
0x131: {  	s11 =	sadd.s32 s11, s24;
	[sflag:s26] =	ssyncadd.s32 $0xFFFFB000  }
0x132: {  	[tilespmem:s0], [sflag:$0x2] =	stream.linear.gather [hbm4b:s11+s5], $0xA0, $0x38;
	[tilespmem:$0x1F700] =	vst v63  }
0x133: {  	_ =	swait.ge [sflag:s26], $0xA0  }
0x134: {  	[sflag:s26] =	ssyncset.done $0x0  }
0x135: {  	[sflag:s26] =	ssyncadd.s32 $0xFFFFFF60  }
0x136: {  	[spmem:s4] =	stream.indirect.scatter.add.f32 [tilespmem:s25], [sflag:$0x2], $0x80, s0, s6, $0xb8;
	[tilespmem:$0x1F700] =	vst v63  }
0x137: {  	_ =	swait.ge [sflag:s26], $0x5000  }
0x138: {  	[sflag:s26] =	ssyncset.done $0x0  }
0x139: {  	[sflag:s26] =	ssyncadd.s32 $0xFFFFB000  }
0x13a: {  	[bflag:$0x0] =	sbarrier.arrive $0xFFFF  }
0x13b: {  	s14 =	rddreg [dreg:$0xc]  }
0x13c: {  	[hbm:s14], [sflag:s9] =	dma.local [spmem:s10], $0x2800  }
0x13d: {  	_ =	swait.ge [sflag:s26], $0x2800  }
0x13e: {  	s8 =	sadd.s32 $0x1, s8;
	s15 =	rddreg [dreg:$0xd]  }
0x13f: {  	p0 =	sne.s32 s8, s15  }
.Ltmp6:
0x140: {  	_ = 	snop;
	(pc) =	sbr.rel @p0 .LBB2_1-.Ltmp6, $3  }
0x141: {  	_ =	sdelay $0x1  }
0x142: {  	[sflag:s26] =	ssyncset.done $0x0  }
0x143: {  	[sflag:s26] =	ssyncadd.s32 $0xFFFFD800  }
0x144: {  	_ =	sfence.sel $0x180000  }
0x145: {  	[bflag:$0x0] =	sbarrier.arrive $0xFFFF  }
0x146: {  	_ =	strace $0x90000047  }
0x147: {  	s0 =	stileid.u32;
	[bflag:$0x2] =	sbarrier.arrive $0xFFFF  }
0x148: {  	p0 =	sne.s32 s0, $0x0;
	s0 =	rddreg [dreg:$0x4]  }
0x149: {  	s0 =	sadd.s32 @!p0 $0x100000, s0  }
0x14a: {  	[sflag:s0] =	ssyncadd.tile.s32 @!p0 $0x1;
	_ =	shalt  }
.Lfunc_end2:
_tile_overlayer_lowered:
.L_overlay_start_2:
0x14b: {  	(tag) =	ssettag $0x2  }
0x14c: {  	s0 =	rddreg [dreg:$0x0];
	s2 =	stileid.u32  }
0x14d: {  	s1 =	rddreg [dreg:$0x1];
	p0 =	sne.s32 s2, $0x0  }
0x14e: {  	s3 =	rddreg [dreg:$0x2];
	[bflag:$0x3] =	sbarrier.arrive $0xFFFF;
	s2 =	simm.s32 @!p0 $0x1C02  }
0x14f: {  	[timem:s3], [sflag:s2] =	dma.local @!p0 [hbm:s0], s1  }
0x150: {  	s0 =	simm.s32 @!p0 $0x2  }
0x151: {  	_ =	swait.ge @!p0 [sflag:s0], s1  }
0x152: {  	s1 =	ssub.s32 @!p0 $0x0, s1;
	[sflag:s0] =	ssyncset.done @!p0 $0x0  }
0x153: {  	[sflag:s0] =	ssyncadd.s32 @!p0 s1  }
0x154: {  	[bflag:$0x3] =	sbarrier.arrive $0xFFFF  }
0x155: {  	_ =	shalt  }

</sc_bundles>
